<compile_context>
chip_gen: v7x
topology: tpu7x:2x2x1
jax: 0.10.2.dev20260603
libtpu: 0.0.44.dev20260713+nightly
codegen_flags: <defaults>
</compile_context>

<pallas_src>
import functools

import jax
import jax.numpy as jnp
from jax import lax
from jax.experimental import pallas as pl
from jax.experimental.pallas import tpu as pltpu
from jax.experimental.pallas import tpu_sc as plsc

VOCAB = 8008
EMBED_DIM = 1280

_info = plsc.get_sparse_core_info()
_NC, _NS = _info.num_cores, _info.num_subcores
_NW = _NC * _NS

_B = 4 * 2048
_B_PER_W = _B // _NW
_CHUNK = 32
_NCHUNK = _B_PER_W // _CHUNK
_NBUF = 3

_mesh = plsc.VectorSubcoreMesh(core_axis_name="c", subcore_axis_name="s")


_ROWS, _COLS = 4, 2048
_W_PER_ROW = _COLS // _B_PER_W


@functools.partial(
    pl.kernel,
    mesh=_mesh,
    out_type=jax.ShapeDtypeStruct((_B, EMBED_DIM), jnp.float32),
    scratch_types=[
        pltpu.VMEM((_B_PER_W,), jnp.int32),
        *([pltpu.VMEM((_CHUNK, EMBED_DIM), jnp.float32)] * _NBUF),
        pltpu.SemaphoreType.DMA,
        *([pltpu.SemaphoreType.DMA] * _NBUF),
        *([pltpu.SemaphoreType.DMA] * _NBUF),
    ],
)
def _gather_rows(idx_hbm, table_hbm, out_hbm, idx_v, *scratch):
    bufs = scratch[:_NBUF]
    isem = scratch[_NBUF]
    gsems = scratch[_NBUF + 1:2 * _NBUF + 1]
    ssems = scratch[2 * _NBUF + 1:]
    wid = lax.axis_index("s") * _NC + lax.axis_index("c")
    base = wid * _B_PER_W
    pltpu.async_copy(
        idx_hbm.at[wid // _W_PER_ROW,
                   pl.ds((wid % _W_PER_ROW) * _B_PER_W, _B_PER_W)],
        idx_v, isem).wait()
    gh = [None] * _NCHUNK
    sh = [None] * _NCHUNK

    def _gather(c, b):
        return pltpu.async_copy(
            table_hbm.at[idx_v.at[pl.ds(c * _CHUNK, _CHUNK)]], bufs[b],
            gsems[b])

    gh[0] = _gather(0, 0)
    for c in range(_NCHUNK):
        if c + 1 < _NCHUNK:
            if c + 1 - _NBUF >= 0:
                sh[c + 1 - _NBUF].wait()
            gh[c + 1] = _gather(c + 1, (c + 1) % _NBUF)
        b = c % _NBUF
        gh[c].wait()
        sh[c] = pltpu.async_copy(
            bufs[b], out_hbm.at[pl.ds(base + c * _CHUNK, _CHUNK)], ssems[b])
    for c in range(_NCHUNK - _NBUF, _NCHUNK):
        sh[c].wait()


def kernel(inputs, table):
    out = _gather_rows(inputs.astype(jnp.int32), table)
    return out.reshape(inputs.shape + (EMBED_DIM,))

# --- scband reference (transcript-rebuilt; emitter-appended) ---
"""Pipeline reference for scband-shared-embedding-23321672417758 (READ-ONLY COPY).

The authoritative reference and input builder live on the scoring server;
editing this copy changes nothing except your own understanding.
"""

import jax, jax.numpy as jnp
import numpy as np

VOCAB = 8008
EMBED_DIM = 1280

def setup_inputs(seed: int = 0) -> dict:
    key = jax.random.key(seed)
    k_idx, k_tab = jax.random.split(key)
    inputs = jax.random.randint(k_idx, (4, 2048), 0, VOCAB, dtype=jnp.int64)
    # keras Embedding default initializer is uniform(-0.05, 0.05)
    table = jax.random.uniform(k_tab, (VOCAB, EMBED_DIM), dtype=jnp.float32, minval=-0.05, maxval=0.05)
    return {"inputs": inputs, "table": table}

def reference(inputs, table):
    # SharedEmbedding.call -> keras.layers.Embedding lookup
    return jnp.take(table, inputs, axis=0)

if __name__ == "__main__":
    import jax
    _d = setup_inputs()
    print(jax.jit(kernel)(*tuple(_d.values())))

</pallas_src>

<mosaic_0001>
#map = affine_map<(d0, d1) -> (0, 0)>
module attributes {stable_mosaic.version = 14 : i64} {
  func.func @_gather_rows(%arg0: i32, %arg1: i32, %arg2: memref<4x2048xi32, #tpu.memory_space<hbm>>, %arg3: memref<8008x1280xf32, #tpu.memory_space<hbm>>, %arg4: memref<8192x1280xf32, #tpu.memory_space<hbm>>, %arg5: memref<256xi32, #tpu.memory_space<vmem>>, %arg6: memref<32x1280xf32, #tpu.memory_space<vmem>>, %arg7: memref<32x1280xf32, #tpu.memory_space<vmem>>, %arg8: memref<32x1280xf32, #tpu.memory_space<vmem>>, %arg9: memref<!tpu.dma_semaphore, #tpu.memory_space<semaphore_mem>>, %arg10: memref<!tpu.dma_semaphore, #tpu.memory_space<semaphore_mem>>, %arg11: memref<!tpu.dma_semaphore, #tpu.memory_space<semaphore_mem>>, %arg12: memref<!tpu.dma_semaphore, #tpu.memory_space<semaphore_mem>>, %arg13: memref<!tpu.dma_semaphore, #tpu.memory_space<semaphore_mem>>, %arg14: memref<!tpu.dma_semaphore, #tpu.memory_space<semaphore_mem>>, %arg15: memref<!tpu.dma_semaphore, #tpu.memory_space<semaphore_mem>>) attributes {dimension_semantics = [#tpu.dimension_semantics<core_parallel>, #tpu.dimension_semantics<subcore_parallel>], iteration_bounds = array<i64: 2, 16>, scalar_prefetch = 0 : i64, scratch_operands = 11 : i64, tpu.core_type = #tpu.core_type<sc_vector_subcore>, window_params = [{transform_indices = #map}, {transform_indices = #map}, {transform_indices = #map}]} {
    %mul3A = arith.constant 2 : i32
    %mul3A_0 = arith.muli %arg1, %mul3A : i32
    %add3A = arith.addi %mul3A_0, %arg0 : i32
    %mul3A_1 = arith.constant 256 : i32
    %mul3A_2 = arith.muli %add3A, %mul3A_1 : i32
    %jit3A = arith.constant 8 : i32
    %div3A = arith.divsi %add3A, %jit3A : i32
    %sign3A = arith.constant 0 : i32
    %sign3A_3 = arith.cmpi sgt, %add3A, %sign3A : i32
    %sign3A_4 = arith.extui %sign3A_3 : i1 to i32
    %sign3A_5 = arith.constant 0 : i32
    %sign3A_6 = arith.cmpi slt, %add3A, %sign3A_5 : i32
    %sign3A_7 = arith.extui %sign3A_6 : i1 to i32
    %sign3A_8 = arith.subi %sign3A_4, %sign3A_7 : i32
    %sign3A_9 = arith.constant 0 : i32
    %sign3A_10 = arith.cmpi sgt, %jit3A, %sign3A_9 : i32
    %sign3A_11 = arith.extui %sign3A_10 : i1 to i32
    %sign3A_12 = arith.constant 0 : i32
    %sign3A_13 = arith.cmpi slt, %jit3A, %sign3A_12 : i32
    %sign3A_14 = arith.extui %sign3A_13 : i1 to i32
    %sign3A_15 = arith.subi %sign3A_11, %sign3A_14 : i32
    %ne3A = arith.cmpi ne, %sign3A_8, %sign3A_15 : i32
    %rem3A = arith.remsi %add3A, %jit3A : i32
    %ne3A_16 = arith.constant 0 : i32
    %ne3A_17 = arith.cmpi ne, %rem3A, %ne3A_16 : i32
    %and3A = arith.andi %ne3A, %ne3A_17 : i1
    %sub3A = arith.constant 1 : i32
    %sub3A_18 = arith.subi %div3A, %sub3A : i32
    %select_n3A = arith.select %and3A, %sub3A_18, %div3A : i32
    %jit3A_19 = arith.constant 8 : i32
    %eq3A = arith.constant 0 : i32
    %eq3A_20 = arith.cmpi eq, %jit3A_19, %eq3A : i32
    %jit3A_21 = arith.constant 1 : i32
    %select_n3A_22 = arith.select %eq3A_20, %jit3A_21, %jit3A_19 : i32
    %rem3A_23 = arith.remsi %add3A, %select_n3A_22 : i32
    %ne3A_24 = arith.constant 0 : i32
    %ne3A_25 = arith.cmpi ne, %rem3A_23, %ne3A_24 : i32
    %lt3A = arith.constant 0 : i32
    %lt3A_26 = arith.cmpi slt, %rem3A_23, %lt3A : i32
    %lt3A_27 = arith.constant 0 : i32
    %lt3A_28 = arith.cmpi slt, %select_n3A_22, %lt3A_27 : i32
    %ne3A_29 = arith.xori %lt3A_26, %lt3A_28 : i1
    %and3A_30 = arith.andi %ne3A_29, %ne3A_25 : i1
    %add3A_31 = arith.addi %rem3A_23, %select_n3A_22 : i32
    %select_n3A_32 = arith.select %and3A_30, %add3A_31, %rem3A_23 : i32
    %mul3A_33 = arith.constant 256 : i32
    %mul3A_34 = arith.muli %select_n3A_32, %mul3A_33 : i32
    %dma_start3A = tpu.memref_slice %arg2[%select_n3A, %mul3A_34] : memref<4x2048xi32, #tpu.memory_space<hbm>> -> memref<1x256xi32, #tpu.memory_space<hbm>>
    %dma_start3A_35 = tpu.memref_squeeze %dma_start3A : memref<1x256xi32, #tpu.memory_space<hbm>> -> memref<256xi32, #tpu.memory_space<hbm>>
    %dma_start3A_36 = tpu.memref_slice %arg2[%select_n3A, %mul3A_34] : memref<4x2048xi32, #tpu.memory_space<hbm>> -> memref<1x256xi32, #tpu.memory_space<hbm>>
    %dma_start3A_37 = tpu.memref_squeeze %dma_start3A_36 : memref<1x256xi32, #tpu.memory_space<hbm>> -> memref<256xi32, #tpu.memory_space<hbm>>
    tpu.enqueue_dma source(%dma_start3A_37 : memref<256xi32, #tpu.memory_space<hbm>>) target(%arg5 : memref<256xi32, #tpu.memory_space<vmem>>) target_semaphore(%arg9 : memref<!tpu.dma_semaphore, #tpu.memory_space<semaphore_mem>>)
    %dma_wait3A = tpu.memref_slice %arg2[%select_n3A, %mul3A_34] : memref<4x2048xi32, #tpu.memory_space<hbm>> -> memref<1x256xi32, #tpu.memory_space<hbm>>
    %dma_wait3A_38 = tpu.memref_squeeze %dma_wait3A : memref<1x256xi32, #tpu.memory_space<hbm>> -> memref<256xi32, #tpu.memory_space<hbm>>
    %dma_wait3A_39 = tpu.memref_slice %arg2[%select_n3A, %mul3A_34] : memref<4x2048xi32, #tpu.memory_space<hbm>> -> memref<1x256xi32, #tpu.memory_space<hbm>>
    %dma_wait3A_40 = tpu.memref_squeeze %dma_wait3A_39 : memref<1x256xi32, #tpu.memory_space<hbm>> -> memref<256xi32, #tpu.memory_space<hbm>>
    tpu.wait_dma2 semaphore(%arg9 : memref<!tpu.dma_semaphore, #tpu.memory_space<semaphore_mem>>) src(%dma_wait3A_40 : memref<256xi32, #tpu.memory_space<hbm>>) dst(%arg5 : memref<256xi32, #tpu.memory_space<vmem>>)
    %dma_start3A_41 = arith.constant 0 : i32
    %dma_start3A_42 = tpu.memref_slice %arg5[%dma_start3A_41] : memref<256xi32, #tpu.memory_space<vmem>> -> memref<32xi32, #tpu.memory_space<vmem>>
    %dma_start3A_43 = arith.constant 0 : i32
    %dma_start3A_44 = arith.constant 0 : i32
    %dma_start3A_45 = tpu.memref_slice %arg3[%dma_start3A_43, %dma_start3A_44] : memref<8008x1280xf32, #tpu.memory_space<hbm>> -> memref<8008x1280xf32, #tpu.memory_space<hbm>>
    tpu.enqueue_indirect_dma source(%dma_start3A_45 : memref<8008x1280xf32, #tpu.memory_space<hbm>>) target(%arg6 : memref<32x1280xf32, #tpu.memory_space<vmem>>) offsets(%dma_start3A_42 : memref<32xi32, #tpu.memory_space<vmem>>) semaphore(%arg10 : memref<!tpu.dma_semaphore, #tpu.memory_space<semaphore_mem>>)
    %dma_start3A_46 = arith.constant 32 : i32
    %dma_start3A_47 = tpu.memref_slice %arg5[%dma_start3A_46] : memref<256xi32, #tpu.memory_space<vmem>> -> memref<32xi32, #tpu.memory_space<vmem>>
    %dma_start3A_48 = arith.constant 0 : i32
    %dma_start3A_49 = arith.constant 0 : i32
    %dma_start3A_50 = tpu.memref_slice %arg3[%dma_start3A_48, %dma_start3A_49] : memref<8008x1280xf32, #tpu.memory_space<hbm>> -> memref<8008x1280xf32, #tpu.memory_space<hbm>>
    tpu.enqueue_indirect_dma source(%dma_start3A_50 : memref<8008x1280xf32, #tpu.memory_space<hbm>>) target(%arg7 : memref<32x1280xf32, #tpu.memory_space<vmem>>) offsets(%dma_start3A_47 : memref<32xi32, #tpu.memory_space<vmem>>) semaphore(%arg11 : memref<!tpu.dma_semaphore, #tpu.memory_space<semaphore_mem>>)
    %dma_wait3A_51 = arith.constant 0 : i32
    %dma_wait3A_52 = tpu.memref_slice %arg5[%dma_wait3A_51] : memref<256xi32, #tpu.memory_space<vmem>> -> memref<32xi32, #tpu.memory_space<vmem>>
    %dma_wait3A_53 = arith.constant 0 : i32
    %dma_wait3A_54 = arith.constant 0 : i32
    %dma_wait3A_55 = tpu.memref_slice %arg3[%dma_wait3A_53, %dma_wait3A_54] : memref<8008x1280xf32, #tpu.memory_space<hbm>> -> memref<8008x1280xf32, #tpu.memory_space<hbm>>
    tpu.wait_indirect_dma semaphore(%arg10 : memref<!tpu.dma_semaphore, #tpu.memory_space<semaphore_mem>>) src(%dma_wait3A_55 : memref<8008x1280xf32, #tpu.memory_space<hbm>>) dst(%arg6 : memref<32x1280xf32, #tpu.memory_space<vmem>>)
    %add3A_56 = arith.constant 0 : i32
    %add3A_57 = arith.addi %mul3A_2, %add3A_56 : i32
    %dma_start3A_58 = arith.constant 0 : i32
    %dma_start3A_59 = tpu.memref_slice %arg4[%add3A_57, %dma_start3A_58] : memref<8192x1280xf32, #tpu.memory_space<hbm>> -> memref<32x1280xf32, #tpu.memory_space<hbm>>
    %dma_start3A_60 = arith.constant 0 : i32
    %dma_start3A_61 = tpu.memref_slice %arg4[%add3A_57, %dma_start3A_60] : memref<8192x1280xf32, #tpu.memory_space<hbm>> -> memref<32x1280xf32, #tpu.memory_space<hbm>>
    tpu.enqueue_dma source(%arg6 : memref<32x1280xf32, #tpu.memory_space<vmem>>) target(%dma_start3A_61 : memref<32x1280xf32, #tpu.memory_space<hbm>>) target_semaphore(%arg13 : memref<!tpu.dma_semaphore, #tpu.memory_space<semaphore_mem>>)
    %dma_start3A_62 = arith.constant 64 : i32
    %dma_start3A_63 = tpu.memref_slice %arg5[%dma_start3A_62] : memref<256xi32, #tpu.memory_space<vmem>> -> memref<32xi32, #tpu.memory_space<vmem>>
    %dma_start3A_64 = arith.constant 0 : i32
    %dma_start3A_65 = arith.constant 0 : i32
    %dma_start3A_66 = tpu.memref_slice %arg3[%dma_start3A_64, %dma_start3A_65] : memref<8008x1280xf32, #tpu.memory_space<hbm>> -> memref<8008x1280xf32, #tpu.memory_space<hbm>>
    tpu.enqueue_indirect_dma source(%dma_start3A_66 : memref<8008x1280xf32, #tpu.memory_space<hbm>>) target(%arg8 : memref<32x1280xf32, #tpu.memory_space<vmem>>) offsets(%dma_start3A_63 : memref<32xi32, #tpu.memory_space<vmem>>) semaphore(%arg12 : memref<!tpu.dma_semaphore, #tpu.memory_space<semaphore_mem>>)
    %dma_wait3A_67 = arith.constant 32 : i32
    %dma_wait3A_68 = tpu.memref_slice %arg5[%dma_wait3A_67] : memref<256xi32, #tpu.memory_space<vmem>> -> memref<32xi32, #tpu.memory_space<vmem>>
    %dma_wait3A_69 = arith.constant 0 : i32
    %dma_wait3A_70 = arith.constant 0 : i32
    %dma_wait3A_71 = tpu.memref_slice %arg3[%dma_wait3A_69, %dma_wait3A_70] : memref<8008x1280xf32, #tpu.memory_space<hbm>> -> memref<8008x1280xf32, #tpu.memory_space<hbm>>
    tpu.wait_indirect_dma semaphore(%arg11 : memref<!tpu.dma_semaphore, #tpu.memory_space<semaphore_mem>>) src(%dma_wait3A_71 : memref<8008x1280xf32, #tpu.memory_space<hbm>>) dst(%arg7 : memref<32x1280xf32, #tpu.memory_space<vmem>>)
    %add3A_72 = arith.constant 32 : i32
    %add3A_73 = arith.addi %mul3A_2, %add3A_72 : i32
    %dma_start3A_74 = arith.constant 0 : i32
    %dma_start3A_75 = tpu.memref_slice %arg4[%add3A_73, %dma_start3A_74] : memref<8192x1280xf32, #tpu.memory_space<hbm>> -> memref<32x1280xf32, #tpu.memory_space<hbm>>
    %dma_start3A_76 = arith.constant 0 : i32
    %dma_start3A_77 = tpu.memref_slice %arg4[%add3A_73, %dma_start3A_76] : memref<8192x1280xf32, #tpu.memory_space<hbm>> -> memref<32x1280xf32, #tpu.memory_space<hbm>>
    tpu.enqueue_dma source(%arg7 : memref<32x1280xf32, #tpu.memory_space<vmem>>) target(%dma_start3A_77 : memref<32x1280xf32, #tpu.memory_space<hbm>>) target_semaphore(%arg14 : memref<!tpu.dma_semaphore, #tpu.memory_space<semaphore_mem>>)
    %dma_wait3A_78 = arith.constant 0 : i32
    %dma_wait3A_79 = tpu.memref_slice %arg4[%add3A_57, %dma_wait3A_78] : memref<8192x1280xf32, #tpu.memory_space<hbm>> -> memref<32x1280xf32, #tpu.memory_space<hbm>>
    %dma_wait3A_80 = arith.constant 0 : i32
    %dma_wait3A_81 = tpu.memref_slice %arg4[%add3A_57, %dma_wait3A_80] : memref<8192x1280xf32, #tpu.memory_space<hbm>> -> memref<32x1280xf32, #tpu.memory_space<hbm>>
    tpu.wait_dma2 semaphore(%arg13 : memref<!tpu.dma_semaphore, #tpu.memory_space<semaphore_mem>>) src(%arg6 : memref<32x1280xf32, #tpu.memory_space<vmem>>) dst(%dma_wait3A_81 : memref<32x1280xf32, #tpu.memory_space<hbm>>)
    %dma_start3A_82 = arith.constant 96 : i32
    %dma_start3A_83 = tpu.memref_slice %arg5[%dma_start3A_82] : memref<256xi32, #tpu.memory_space<vmem>> -> memref<32xi32, #tpu.memory_space<vmem>>
    %dma_start3A_84 = arith.constant 0 : i32
    %dma_start3A_85 = arith.constant 0 : i32
    %dma_start3A_86 = tpu.memref_slice %arg3[%dma_start3A_84, %dma_start3A_85] : memref<8008x1280xf32, #tpu.memory_space<hbm>> -> memref<8008x1280xf32, #tpu.memory_space<hbm>>
    tpu.enqueue_indirect_dma source(%dma_start3A_86 : memref<8008x1280xf32, #tpu.memory_space<hbm>>) target(%arg6 : memref<32x1280xf32, #tpu.memory_space<vmem>>) offsets(%dma_start3A_83 : memref<32xi32, #tpu.memory_space<vmem>>) semaphore(%arg10 : memref<!tpu.dma_semaphore, #tpu.memory_space<semaphore_mem>>)
    %dma_wait3A_87 = arith.constant 64 : i32
    %dma_wait3A_88 = tpu.memref_slice %arg5[%dma_wait3A_87] : memref<256xi32, #tpu.memory_space<vmem>> -> memref<32xi32, #tpu.memory_space<vmem>>
    %dma_wait3A_89 = arith.constant 0 : i32
    %dma_wait3A_90 = arith.constant 0 : i32
    %dma_wait3A_91 = tpu.memref_slice %arg3[%dma_wait3A_89, %dma_wait3A_90] : memref<8008x1280xf32, #tpu.memory_space<hbm>> -> memref<8008x1280xf32, #tpu.memory_space<hbm>>
    tpu.wait_indirect_dma semaphore(%arg12 : memref<!tpu.dma_semaphore, #tpu.memory_space<semaphore_mem>>) src(%dma_wait3A_91 : memref<8008x1280xf32, #tpu.memory_space<hbm>>) dst(%arg8 : memref<32x1280xf32, #tpu.memory_space<vmem>>)
    %add3A_92 = arith.constant 64 : i32
    %add3A_93 = arith.addi %mul3A_2, %add3A_92 : i32
    %dma_start3A_94 = arith.constant 0 : i32
    %dma_start3A_95 = tpu.memref_slice %arg4[%add3A_93, %dma_start3A_94] : memref<8192x1280xf32, #tpu.memory_space<hbm>> -> memref<32x1280xf32, #tpu.memory_space<hbm>>
    %dma_start3A_96 = arith.constant 0 : i32
    %dma_start3A_97 = tpu.memref_slice %arg4[%add3A_93, %dma_start3A_96] : memref<8192x1280xf32, #tpu.memory_space<hbm>> -> memref<32x1280xf32, #tpu.memory_space<hbm>>
    tpu.enqueue_dma source(%arg8 : memref<32x1280xf32, #tpu.memory_space<vmem>>) target(%dma_start3A_97 : memref<32x1280xf32, #tpu.memory_space<hbm>>) target_semaphore(%arg15 : memref<!tpu.dma_semaphore, #tpu.memory_space<semaphore_mem>>)
    %dma_wait3A_98 = arith.constant 0 : i32
    %dma_wait3A_99 = tpu.memref_slice %arg4[%add3A_73, %dma_wait3A_98] : memref<8192x1280xf32, #tpu.memory_space<hbm>> -> memref<32x1280xf32, #tpu.memory_space<hbm>>
    %dma_wait3A_100 = arith.constant 0 : i32
    %dma_wait3A_101 = tpu.memref_slice %arg4[%add3A_73, %dma_wait3A_100] : memref<8192x1280xf32, #tpu.memory_space<hbm>> -> memref<32x1280xf32, #tpu.memory_space<hbm>>
    tpu.wait_dma2 semaphore(%arg14 : memref<!tpu.dma_semaphore, #tpu.memory_space<semaphore_mem>>) src(%arg7 : memref<32x1280xf32, #tpu.memory_space<vmem>>) dst(%dma_wait3A_101 : memref<32x1280xf32, #tpu.memory_space<hbm>>)
    %dma_start3A_102 = arith.constant 128 : i32
    %dma_start3A_103 = tpu.memref_slice %arg5[%dma_start3A_102] : memref<256xi32, #tpu.memory_space<vmem>> -> memref<32xi32, #tpu.memory_space<vmem>>
    %dma_start3A_104 = arith.constant 0 : i32
    %dma_start3A_105 = arith.constant 0 : i32
    %dma_start3A_106 = tpu.memref_slice %arg3[%dma_start3A_104, %dma_start3A_105] : memref<8008x1280xf32, #tpu.memory_space<hbm>> -> memref<8008x1280xf32, #tpu.memory_space<hbm>>
    tpu.enqueue_indirect_dma source(%dma_start3A_106 : memref<8008x1280xf32, #tpu.memory_space<hbm>>) target(%arg7 : memref<32x1280xf32, #tpu.memory_space<vmem>>) offsets(%dma_start3A_103 : memref<32xi32, #tpu.memory_space<vmem>>) semaphore(%arg11 : memref<!tpu.dma_semaphore, #tpu.memory_space<semaphore_mem>>)
    %dma_wait3A_107 = arith.constant 96 : i32
    %dma_wait3A_108 = tpu.memref_slice %arg5[%dma_wait3A_107] : memref<256xi32, #tpu.memory_space<vmem>> -> memref<32xi32, #tpu.memory_space<vmem>>
    %dma_wait3A_109 = arith.constant 0 : i32
    %dma_wait3A_110 = arith.constant 0 : i32
    %dma_wait3A_111 = tpu.memref_slice %arg3[%dma_wait3A_109, %dma_wait3A_110] : memref<8008x1280xf32, #tpu.memory_space<hbm>> -> memref<8008x1280xf32, #tpu.memory_space<hbm>>
    tpu.wait_indirect_dma semaphore(%arg10 : memref<!tpu.dma_semaphore, #tpu.memory_space<semaphore_mem>>) src(%dma_wait3A_111 : memref<8008x1280xf32, #tpu.memory_space<hbm>>) dst(%arg6 : memref<32x1280xf32, #tpu.memory_space<vmem>>)
    %add3A_112 = arith.constant 96 : i32
    %add3A_113 = arith.addi %mul3A_2, %add3A_112 : i32
    %dma_start3A_114 = arith.constant 0 : i32
    %dma_start3A_115 = tpu.memref_slice %arg4[%add3A_113, %dma_start3A_114] : memref<8192x1280xf32, #tpu.memory_space<hbm>> -> memref<32x1280xf32, #tpu.memory_space<hbm>>
    %dma_start3A_116 = arith.constant 0 : i32
    %dma_start3A_117 = tpu.memref_slice %arg4[%add3A_113, %dma_start3A_116] : memref<8192x1280xf32, #tpu.memory_space<hbm>> -> memref<32x1280xf32, #tpu.memory_space<hbm>>
    tpu.enqueue_dma source(%arg6 : memref<32x1280xf32, #tpu.memory_space<vmem>>) target(%dma_start3A_117 : memref<32x1280xf32, #tpu.memory_space<hbm>>) target_semaphore(%arg13 : memref<!tpu.dma_semaphore, #tpu.memory_space<semaphore_mem>>)
    %dma_wait3A_118 = arith.constant 0 : i32
    %dma_wait3A_119 = tpu.memref_slice %arg4[%add3A_93, %dma_wait3A_118] : memref<8192x1280xf32, #tpu.memory_space<hbm>> -> memref<32x1280xf32, #tpu.memory_space<hbm>>
    %dma_wait3A_120 = arith.constant 0 : i32
    %dma_wait3A_121 = tpu.memref_slice %arg4[%add3A_93, %dma_wait3A_120] : memref<8192x1280xf32, #tpu.memory_space<hbm>> -> memref<32x1280xf32, #tpu.memory_space<hbm>>
    tpu.wait_dma2 semaphore(%arg15 : memref<!tpu.dma_semaphore, #tpu.memory_space<semaphore_mem>>) src(%arg8 : memref<32x1280xf32, #tpu.memory_space<vmem>>) dst(%dma_wait3A_121 : memref<32x1280xf32, #tpu.memory_space<hbm>>)
    %dma_start3A_122 = arith.constant 160 : i32
    %dma_start3A_123 = tpu.memref_slice %arg5[%dma_start3A_122] : memref<256xi32, #tpu.memory_space<vmem>> -> memref<32xi32, #tpu.memory_space<vmem>>
    %dma_start3A_124 = arith.constant 0 : i32
    %dma_start3A_125 = arith.constant 0 : i32
    %dma_start3A_126 = tpu.memref_slice %arg3[%dma_start3A_124, %dma_start3A_125] : memref<8008x1280xf32, #tpu.memory_space<hbm>> -> memref<8008x1280xf32, #tpu.memory_space<hbm>>
    tpu.enqueue_indirect_dma source(%dma_start3A_126 : memref<8008x1280xf32, #tpu.memory_space<hbm>>) target(%arg8 : memref<32x1280xf32, #tpu.memory_space<vmem>>) offsets(%dma_start3A_123 : memref<32xi32, #tpu.memory_space<vmem>>) semaphore(%arg12 : memref<!tpu.dma_semaphore, #tpu.memory_space<semaphore_mem>>)
    %dma_wait3A_127 = arith.constant 128 : i32
    %dma_wait3A_128 = tpu.memref_slice %arg5[%dma_wait3A_127] : memref<256xi32, #tpu.memory_space<vmem>> -> memref<32xi32, #tpu.memory_space<vmem>>
    %dma_wait3A_129 = arith.constant 0 : i32
    %dma_wait3A_130 = arith.constant 0 : i32
    %dma_wait3A_131 = tpu.memref_slice %arg3[%dma_wait3A_129, %dma_wait3A_130] : memref<8008x1280xf32, #tpu.memory_space<hbm>> -> memref<8008x1280xf32, #tpu.memory_space<hbm>>
    tpu.wait_indirect_dma semaphore(%arg11 : memref<!tpu.dma_semaphore, #tpu.memory_space<semaphore_mem>>) src(%dma_wait3A_131 : memref<8008x1280xf32, #tpu.memory_space<hbm>>) dst(%arg7 : memref<32x1280xf32, #tpu.memory_space<vmem>>)
    %add3A_132 = arith.constant 128 : i32
    %add3A_133 = arith.addi %mul3A_2, %add3A_132 : i32
    %dma_start3A_134 = arith.constant 0 : i32
    %dma_start3A_135 = tpu.memref_slice %arg4[%add3A_133, %dma_start3A_134] : memref<8192x1280xf32, #tpu.memory_space<hbm>> -> memref<32x1280xf32, #tpu.memory_space<hbm>>
    %dma_start3A_136 = arith.constant 0 : i32
    %dma_start3A_137 = tpu.memref_slice %arg4[%add3A_133, %dma_start3A_136] : memref<8192x1280xf32, #tpu.memory_space<hbm>> -> memref<32x1280xf32, #tpu.memory_space<hbm>>
    tpu.enqueue_dma source(%arg7 : memref<32x1280xf32, #tpu.memory_space<vmem>>) target(%dma_start3A_137 : memref<32x1280xf32, #tpu.memory_space<hbm>>) target_semaphore(%arg14 : memref<!tpu.dma_semaphore, #tpu.memory_space<semaphore_mem>>)
    %dma_wait3A_138 = arith.constant 0 : i32
    %dma_wait3A_139 = tpu.memref_slice %arg4[%add3A_113, %dma_wait3A_138] : memref<8192x1280xf32, #tpu.memory_space<hbm>> -> memref<32x1280xf32, #tpu.memory_space<hbm>>
    %dma_wait3A_140 = arith.constant 0 : i32
    %dma_wait3A_141 = tpu.memref_slice %arg4[%add3A_113, %dma_wait3A_140] : memref<8192x1280xf32, #tpu.memory_space<hbm>> -> memref<32x1280xf32, #tpu.memory_space<hbm>>
    tpu.wait_dma2 semaphore(%arg13 : memref<!tpu.dma_semaphore, #tpu.memory_space<semaphore_mem>>) src(%arg6 : memref<32x1280xf32, #tpu.memory_space<vmem>>) dst(%dma_wait3A_141 : memref<32x1280xf32, #tpu.memory_space<hbm>>)
    %dma_start3A_142 = arith.constant 192 : i32
    %dma_start3A_143 = tpu.memref_slice %arg5[%dma_start3A_142] : memref<256xi32, #tpu.memory_space<vmem>> -> memref<32xi32, #tpu.memory_space<vmem>>
    %dma_start3A_144 = arith.constant 0 : i32
    %dma_start3A_145 = arith.constant 0 : i32
    %dma_start3A_146 = tpu.memref_slice %arg3[%dma_start3A_144, %dma_start3A_145] : memref<8008x1280xf32, #tpu.memory_space<hbm>> -> memref<8008x1280xf32, #tpu.memory_space<hbm>>
    tpu.enqueue_indirect_dma source(%dma_start3A_146 : memref<8008x1280xf32, #tpu.memory_space<hbm>>) target(%arg6 : memref<32x1280xf32, #tpu.memory_space<vmem>>) offsets(%dma_start3A_143 : memref<32xi32, #tpu.memory_space<vmem>>) semaphore(%arg10 : memref<!tpu.dma_semaphore, #tpu.memory_space<semaphore_mem>>)
    %dma_wait3A_147 = arith.constant 160 : i32
    %dma_wait3A_148 = tpu.memref_slice %arg5[%dma_wait3A_147] : memref<256xi32, #tpu.memory_space<vmem>> -> memref<32xi32, #tpu.memory_space<vmem>>
    %dma_wait3A_149 = arith.constant 0 : i32
    %dma_wait3A_150 = arith.constant 0 : i32
    %dma_wait3A_151 = tpu.memref_slice %arg3[%dma_wait3A_149, %dma_wait3A_150] : memref<8008x1280xf32, #tpu.memory_space<hbm>> -> memref<8008x1280xf32, #tpu.memory_space<hbm>>
    tpu.wait_indirect_dma semaphore(%arg12 : memref<!tpu.dma_semaphore, #tpu.memory_space<semaphore_mem>>) src(%dma_wait3A_151 : memref<8008x1280xf32, #tpu.memory_space<hbm>>) dst(%arg8 : memref<32x1280xf32, #tpu.memory_space<vmem>>)
    %add3A_152 = arith.constant 160 : i32
    %add3A_153 = arith.addi %mul3A_2, %add3A_152 : i32
    %dma_start3A_154 = arith.constant 0 : i32
    %dma_start3A_155 = tpu.memref_slice %arg4[%add3A_153, %dma_start3A_154] : memref<8192x1280xf32, #tpu.memory_space<hbm>> -> memref<32x1280xf32, #tpu.memory_space<hbm>>
    %dma_start3A_156 = arith.constant 0 : i32
    %dma_start3A_157 = tpu.memref_slice %arg4[%add3A_153, %dma_start3A_156] : memref<8192x1280xf32, #tpu.memory_space<hbm>> -> memref<32x1280xf32, #tpu.memory_space<hbm>>
    tpu.enqueue_dma source(%arg8 : memref<32x1280xf32, #tpu.memory_space<vmem>>) target(%dma_start3A_157 : memref<32x1280xf32, #tpu.memory_space<hbm>>) target_semaphore(%arg15 : memref<!tpu.dma_semaphore, #tpu.memory_space<semaphore_mem>>)
    %dma_wait3A_158 = arith.constant 0 : i32
    %dma_wait3A_159 = tpu.memref_slice %arg4[%add3A_133, %dma_wait3A_158] : memref<8192x1280xf32, #tpu.memory_space<hbm>> -> memref<32x1280xf32, #tpu.memory_space<hbm>>
    %dma_wait3A_160 = arith.constant 0 : i32
    %dma_wait3A_161 = tpu.memref_slice %arg4[%add3A_133, %dma_wait3A_160] : memref<8192x1280xf32, #tpu.memory_space<hbm>> -> memref<32x1280xf32, #tpu.memory_space<hbm>>
    tpu.wait_dma2 semaphore(%arg14 : memref<!tpu.dma_semaphore, #tpu.memory_space<semaphore_mem>>) src(%arg7 : memref<32x1280xf32, #tpu.memory_space<vmem>>) dst(%dma_wait3A_161 : memref<32x1280xf32, #tpu.memory_space<hbm>>)
    %dma_start3A_162 = arith.constant 224 : i32
    %dma_start3A_163 = tpu.memref_slice %arg5[%dma_start3A_162] : memref<256xi32, #tpu.memory_space<vmem>> -> memref<32xi32, #tpu.memory_space<vmem>>
    %dma_start3A_164 = arith.constant 0 : i32
    %dma_start3A_165 = arith.constant 0 : i32
    %dma_start3A_166 = tpu.memref_slice %arg3[%dma_start3A_164, %dma_start3A_165] : memref<8008x1280xf32, #tpu.memory_space<hbm>> -> memref<8008x1280xf32, #tpu.memory_space<hbm>>
    tpu.enqueue_indirect_dma source(%dma_start3A_166 : memref<8008x1280xf32, #tpu.memory_space<hbm>>) target(%arg7 : memref<32x1280xf32, #tpu.memory_space<vmem>>) offsets(%dma_start3A_163 : memref<32xi32, #tpu.memory_space<vmem>>) semaphore(%arg11 : memref<!tpu.dma_semaphore, #tpu.memory_space<semaphore_mem>>)
    %dma_wait3A_167 = arith.constant 192 : i32
    %dma_wait3A_168 = tpu.memref_slice %arg5[%dma_wait3A_167] : memref<256xi32, #tpu.memory_space<vmem>> -> memref<32xi32, #tpu.memory_space<vmem>>
    %dma_wait3A_169 = arith.constant 0 : i32
    %dma_wait3A_170 = arith.constant 0 : i32
    %dma_wait3A_171 = tpu.memref_slice %arg3[%dma_wait3A_169, %dma_wait3A_170] : memref<8008x1280xf32, #tpu.memory_space<hbm>> -> memref<8008x1280xf32, #tpu.memory_space<hbm>>
    tpu.wait_indirect_dma semaphore(%arg10 : memref<!tpu.dma_semaphore, #tpu.memory_space<semaphore_mem>>) src(%dma_wait3A_171 : memref<8008x1280xf32, #tpu.memory_space<hbm>>) dst(%arg6 : memref<32x1280xf32, #tpu.memory_space<vmem>>)
    %add3A_172 = arith.constant 192 : i32
    %add3A_173 = arith.addi %mul3A_2, %add3A_172 : i32
    %dma_start3A_174 = arith.constant 0 : i32
    %dma_start3A_175 = tpu.memref_slice %arg4[%add3A_173, %dma_start3A_174] : memref<8192x1280xf32, #tpu.memory_space<hbm>> -> memref<32x1280xf32, #tpu.memory_space<hbm>>
    %dma_start3A_176 = arith.constant 0 : i32
    %dma_start3A_177 = tpu.memref_slice %arg4[%add3A_173, %dma_start3A_176] : memref<8192x1280xf32, #tpu.memory_space<hbm>> -> memref<32x1280xf32, #tpu.memory_space<hbm>>
    tpu.enqueue_dma source(%arg6 : memref<32x1280xf32, #tpu.memory_space<vmem>>) target(%dma_start3A_177 : memref<32x1280xf32, #tpu.memory_space<hbm>>) target_semaphore(%arg13 : memref<!tpu.dma_semaphore, #tpu.memory_space<semaphore_mem>>)
    %dma_wait3A_178 = arith.constant 224 : i32
    %dma_wait3A_179 = tpu.memref_slice %arg5[%dma_wait3A_178] : memref<256xi32, #tpu.memory_space<vmem>> -> memref<32xi32, #tpu.memory_space<vmem>>
    %dma_wait3A_180 = arith.constant 0 : i32
    %dma_wait3A_181 = arith.constant 0 : i32
    %dma_wait3A_182 = tpu.memref_slice %arg3[%dma_wait3A_180, %dma_wait3A_181] : memref<8008x1280xf32, #tpu.memory_space<hbm>> -> memref<8008x1280xf32, #tpu.memory_space<hbm>>
    tpu.wait_indirect_dma semaphore(%arg11 : memref<!tpu.dma_semaphore, #tpu.memory_space<semaphore_mem>>) src(%dma_wait3A_182 : memref<8008x1280xf32, #tpu.memory_space<hbm>>) dst(%arg7 : memref<32x1280xf32, #tpu.memory_space<vmem>>)
    %add3A_183 = arith.constant 224 : i32
    %add3A_184 = arith.addi %mul3A_2, %add3A_183 : i32
    %dma_start3A_185 = arith.constant 0 : i32
    %dma_start3A_186 = tpu.memref_slice %arg4[%add3A_184, %dma_start3A_185] : memref<8192x1280xf32, #tpu.memory_space<hbm>> -> memref<32x1280xf32, #tpu.memory_space<hbm>>
    %dma_start3A_187 = arith.constant 0 : i32
    %dma_start3A_188 = tpu.memref_slice %arg4[%add3A_184, %dma_start3A_187] : memref<8192x1280xf32, #tpu.memory_space<hbm>> -> memref<32x1280xf32, #tpu.memory_space<hbm>>
    tpu.enqueue_dma source(%arg7 : memref<32x1280xf32, #tpu.memory_space<vmem>>) target(%dma_start3A_188 : memref<32x1280xf32, #tpu.memory_space<hbm>>) target_semaphore(%arg14 : memref<!tpu.dma_semaphore, #tpu.memory_space<semaphore_mem>>)
    %dma_wait3A_189 = arith.constant 0 : i32
    %dma_wait3A_190 = tpu.memref_slice %arg4[%add3A_153, %dma_wait3A_189] : memref<8192x1280xf32, #tpu.memory_space<hbm>> -> memref<32x1280xf32, #tpu.memory_space<hbm>>
    %dma_wait3A_191 = arith.constant 0 : i32
    %dma_wait3A_192 = tpu.memref_slice %arg4[%add3A_153, %dma_wait3A_191] : memref<8192x1280xf32, #tpu.memory_space<hbm>> -> memref<32x1280xf32, #tpu.memory_space<hbm>>
    tpu.wait_dma2 semaphore(%arg15 : memref<!tpu.dma_semaphore, #tpu.memory_space<semaphore_mem>>) src(%arg8 : memref<32x1280xf32, #tpu.memory_space<vmem>>) dst(%dma_wait3A_192 : memref<32x1280xf32, #tpu.memory_space<hbm>>)
    %dma_wait3A_193 = arith.constant 0 : i32
    %dma_wait3A_194 = tpu.memref_slice %arg4[%add3A_173, %dma_wait3A_193] : memref<8192x1280xf32, #tpu.memory_space<hbm>> -> memref<32x1280xf32, #tpu.memory_space<hbm>>
    %dma_wait3A_195 = arith.constant 0 : i32
    %dma_wait3A_196 = tpu.memref_slice %arg4[%add3A_173, %dma_wait3A_195] : memref<8192x1280xf32, #tpu.memory_space<hbm>> -> memref<32x1280xf32, #tpu.memory_space<hbm>>
    tpu.wait_dma2 semaphore(%arg13 : memref<!tpu.dma_semaphore, #tpu.memory_space<semaphore_mem>>) src(%arg6 : memref<32x1280xf32, #tpu.memory_space<vmem>>) dst(%dma_wait3A_196 : memref<32x1280xf32, #tpu.memory_space<hbm>>)
    %dma_wait3A_197 = arith.constant 0 : i32
    %dma_wait3A_198 = tpu.memref_slice %arg4[%add3A_184, %dma_wait3A_197] : memref<8192x1280xf32, #tpu.memory_space<hbm>> -> memref<32x1280xf32, #tpu.memory_space<hbm>>
    %dma_wait3A_199 = arith.constant 0 : i32
    %dma_wait3A_200 = tpu.memref_slice %arg4[%add3A_184, %dma_wait3A_199] : memref<8192x1280xf32, #tpu.memory_space<hbm>> -> memref<32x1280xf32, #tpu.memory_space<hbm>>
    tpu.wait_dma2 semaphore(%arg14 : memref<!tpu.dma_semaphore, #tpu.memory_space<semaphore_mem>>) src(%arg7 : memref<32x1280xf32, #tpu.memory_space<vmem>>) dst(%dma_wait3A_200 : memref<32x1280xf32, #tpu.memory_space<hbm>>)
    return
  }
}

</mosaic_0001>

<sc_bundles>
// kernel: kernel.3.cloned.1.call-start
scs
__scs_entry_jumppad:
0x0: {  	(pc) =	sbr.rel $0x88, $3  }
0x1: {  	(tag) =	ssettag $0x0;
	lr =	simm.s32 $0x1  }
0x2: {  	[smem:$0x3F9F] =	sst lr;
	_ =	strace $0xD0000000  }
0x3: {  	_ = 	snop  }
0x4: {  	_ = 	snop  }
0x5: {  	_ = 	snop  }
0x6: {  	_ = 	snop  }
0x7: {  	_ = 	snop  }
__scs_overlays_trampoline_lowered:
0x8: {  	[smem:$0x3FAE] =	sst s0  }
0x9: {  	[smem:$0x3FAF] =	sst s1  }
0xa: {  	[smem:$0x3FB0] =	sst s2  }
0xb: {  	[smem:$0x3FB1] =	sst s3  }
0xc: {  	[smem:$0x3FB2] =	sst s4  }
0xd: {  	[smem:$0x3FB3] =	sst s5  }
0xe: {  	[smem:$0x3FB4] =	sst s6  }
0xf: {  	[smem:$0x3FB5] =	sst s7  }
0x10: {  	[smem:$0x3FB6] =	sst s8  }
0x11: {  	[smem:$0x3FB7] =	sst s9;
	s0 =	simm.s32 @!p0 $0x0  }
0x12: {  	s1 =	sld [smem:$0x3F9D];
	s0 =	simm.s32 @p0 $0x1  }
0x13: {  	[smem:$0x3FB8] =	sst s0;
	s0 =	simm.s32 @!p1 $0x0  }
0x14: {  	s2 =	sld [smem:$0x3F9C];
	s0 =	simm.s32 @p1 $0x1  }
0x15: {  	[smem:$0x3FB9] =	sst s0;
	s0 =	simm.s32 @!p2 $0x0  }
0x16: {  	s3 =	sld [smem:$0x3FDB];
	s0 =	simm.s32 @p2 $0x1  }
0x17: {  	s4 =	simm.s32 $0x1BF5;
	[smem:$0x3FBB] =	sst s0  }
0x18: {  	s0 =	sld [smem:$0x3F9E];
	_ =	swait.ge [sflag:s4], $0x0  }
0x19: {  	s7 =	sld [smem:$0x3F9F]  }
0x1a: {  	s8 =	sadd.s32 $0xFFFFE003, lr  }
0x1b: {  	s9 =	sadd.s32 $0xFFFFFEF7, lr;
	s5 =	simm.s32 $0xFFFFFFFF;
	p2 =	slt.u32 s8, $0xFFFFF086  }
0x1c: {  	p1 =	slt.u32 s9, $0xF7A;
	s5 =	simm.s32 @!p2 $0x0  }
0x1d: {  	s5 =	simm.s32 @p1 $0x1;
	p0 =	seq.s32 s7, s2  }
0x1e: {  	s7 =	smul.u32 @!p0 $0xF7A, s2;
	p2 =	seq.s32 @!p0 s5, $0x0  }
0x1f: {  	s9 =	smul.u32 $0xF7A, s1;
	s8 =	simm.s32 @!p0 $0x1BF5;
	p2 =	por !p2, p0  }
0x20: {  	[sflag:s8] =	ssyncset.s32 @!p0 $0xFFFFF086;
	s6 =	sadd.s32 @!p0 s3, s7;
	s7 =	simm.s32 @!p0 $0x108  }
0x21: {  	s3 =	sadd.s32 s3, s9;
	s6 =	sadd.s32 @!p0 $0x88, s6;
	s7 =	simm.s32 @p2 $0x1082  }
0x22: {  	[simem:s7], [sflag:s8] =	dma.local @!p0 [hbm:s6], $0xF7A  }
0x23: {  	s9 =	sor.u32 $0xD0000000, s2;
	s6 =	simm.s32 $0x108;
	_ =	swait.ge @!p0 [sflag:s8], $0x0  }
0x24: {  	s3 =	sadd.s32 $0x88, s3;
	s6 =	simm.s32 @!p1 $0x1082;
	[sflag:s4] =	ssyncset.s32 $0xFFFFF086  }
0x25: {  	[simem:s6], [sflag:s4] =	dma.local [hbm:s3], $0xF7A  }
0x26: {  	[smem:$0x3F9F] =	sst s1;
	(tag) =	ssettag s2;
	_ =	strace s9  }
0x27: {  	s1 =	sld [smem:$0x3FAF]  }
0x28: {  	s2 =	sld [smem:$0x3FB0]  }
0x29: {  	s4 =	sld [smem:$0x3FB2]  }
0x2a: {  	p0 =	seq.s32 s5, $0x0;
	s5 =	sld [smem:$0x3FB3]  }
0x2b: {  	s6 =	sld [smem:$0x3FB4]  }
0x2c: {  	s7 =	sld [smem:$0x3FB5]  }
0x2d: {  	s3 =	simm.s32 $0x108;
	s8 =	sld [smem:$0x3FB6]  }
0x2e: {  	s3 =	simm.s32 @!p0 $0x1082;
	s9 =	sld [smem:$0x3FB7]  }
0x2f: {  	lr =	sadd.s32 s0, s3;
	s0 =	sld [smem:$0x3FAE]  }
0x30: {  	s3 =	sld [smem:$0x3FB1]  }
0x31: {  	[smem:$0x3FBA] =	sst s10  }
0x32: {  	s10 =	sld [smem:$0x3FB8];
	_ =	sdelay $0x3  }
0x33: {  	p0 =	seq.s32 s10, $0x1;
	s10 =	sld [smem:$0x3FBA];
	_ =	sdelay $0x3  }
0x34: {  	[smem:$0x3FBA] =	sst s10  }
0x35: {  	s10 =	sld [smem:$0x3FB9];
	_ =	sdelay $0x3  }
0x36: {  	p1 =	seq.s32 s10, $0x1;
	s10 =	sld [smem:$0x3FBA];
	_ =	sdelay $0x3  }
0x37: {  	[smem:$0x3FBA] =	sst s10  }
0x38: {  	s10 =	sld [smem:$0x3FBB]  }
0x39: {  	_ = 	snop;
	(pc) =	sbr.ind lr, $3  }
0x3a: {  	_ = 	snop  }
0x3b: {  	_ = 	snop  }
0x3c: {  	p2 =	seq.s32 s10, $0x1;
	s10 =	sld [smem:$0x3FBA]  }
0x3d: {  	_ =	shalt  }
0x3e: {  	_ =	shalt  }
0x3f: {  	_ =	shalt  }
0x40: {  	_ =	shalt  }
0x41: {  	_ =	shalt  }
0x42: {  	_ =	shalt  }
0x43: {  	_ =	shalt  }
0x44: {  	_ =	shalt  }
0x45: {  	_ =	shalt  }
0x46: {  	_ =	shalt  }
0x47: {  	_ =	shalt  }
0x48: {  	_ =	shalt  }
0x49: {  	_ =	shalt  }
0x4a: {  	_ =	shalt  }
0x4b: {  	_ =	shalt  }
0x4c: {  	_ =	shalt  }
0x4d: {  	_ =	shalt  }
0x4e: {  	_ =	shalt  }
0x4f: {  	_ =	shalt  }
0x50: {  	_ =	shalt  }
0x51: {  	_ =	shalt  }
0x52: {  	_ =	shalt  }
0x53: {  	_ =	shalt  }
0x54: {  	_ =	shalt  }
0x55: {  	_ =	shalt  }
0x56: {  	_ =	shalt  }
0x57: {  	_ =	shalt  }
0x58: {  	_ =	shalt  }
0x59: {  	_ =	shalt  }
0x5a: {  	_ =	shalt  }
0x5b: {  	_ =	shalt  }
0x5c: {  	_ =	shalt  }
0x5d: {  	_ =	shalt  }
0x5e: {  	_ =	shalt  }
0x5f: {  	_ =	shalt  }
0x60: {  	_ =	shalt  }
0x61: {  	_ =	shalt  }
0x62: {  	_ =	shalt  }
0x63: {  	_ =	shalt  }
0x64: {  	_ =	shalt  }
0x65: {  	_ =	shalt  }
0x66: {  	_ =	shalt  }
0x67: {  	_ =	shalt  }
0x68: {  	_ =	shalt  }
0x69: {  	_ =	shalt  }
0x6a: {  	_ =	shalt  }
0x6b: {  	_ =	shalt  }
0x6c: {  	_ =	shalt  }
0x6d: {  	_ =	shalt  }
0x6e: {  	_ =	shalt  }
0x6f: {  	_ =	shalt  }
0x70: {  	_ =	shalt  }
0x71: {  	_ =	shalt  }
0x72: {  	_ =	shalt  }
0x73: {  	_ =	shalt  }
0x74: {  	_ =	shalt  }
0x75: {  	_ =	shalt  }
0x76: {  	_ =	shalt  }
0x77: {  	_ =	shalt  }
0x78: {  	_ =	shalt  }
0x79: {  	_ =	shalt  }
0x7a: {  	_ =	shalt  }
0x7b: {  	_ =	shalt  }
0x7c: {  	_ =	shalt  }
0x7d: {  	_ =	shalt  }
0x7e: {  	_ =	shalt  }
0x7f: {  	_ =	shalt  }
0x80: {  	_ =	shalt  }
0x81: {  	_ =	shalt  }
0x82: {  	_ =	shalt  }
0x83: {  	_ =	shalt  }
0x84: {  	_ =	shalt  }
0x85: {  	_ =	shalt  }
0x86: {  	_ =	shalt  }
0x87: {  	_ =	shalt  }
.Lfunc_end0:
.L_simem_size_0:
called_computation_lowered:
.L_overlay_start_0:
0x88: {  	s2 =	sld [smem:$0x3FD9]  }
0x89: {  	s3 =	sld [smem:$0x3FFE];
	_ =	sdelay $0x1  }
0x8a: {  	s1 =	srdreg.scid  }
0x8b: {  	s0 =	sand.u32 $0x1, s1  }
0x8c: {  	s18 =	sshll.u32 s0, $0xA;
	s2 =	sadd.s32 s3, s2  }
0x8d: {  	s2 =	sadd.s32 s2, s18  }
0x8e: {  	[smem:$0x3FC6] =	sst s2  }
0x8f: {  	_ = 	snop  }
0x90: {  	s2 =	sld [smem:$0x3FC9]  }
0x91: {  	s19 =	sld [smem:$0x3FC8]  }
0x92: {  	s4 =	sld [smem:$0x3FD0];
	(tm) =	ssettm $0x1  }
0x93: {  	s5 =	sld [smem:$0x3FFB];
	_ =	sdelay $0x3  }
0x94: {  	_ =	strace s5  }
0x95: {  	s5 =	sld [smem:$0x3FFC];
	_ =	sdelay $0x3  }
0x96: {  	_ =	strace s5  }
0x97: {  	s5 =	sld [smem:$0x3FFD];
	_ =	sdelay $0x3  }
0x98: {  	_ =	strace s5  }
0x99: {  	_ =	strace $0x8FFFFFFF  }
0x9a: {  	s20 =	sld [smem:$0x3FDB];
	_ =	sdelay $0x1  }
0x9b: {  	s6 =	simm.s32 $_scs_section_size  }
0x9c: {  	s7 =	simm.s32 $_size__tile_overlayer_lowered;
	s8 =	simm.s32 $_tile_overlayer_lowered  }
0x9d: {  	s23 =	simm.s32 $0x1BFF;
	s22 =	sshll.u32 s8, $0x1;
	s5 =	sadd.s32 s6, s20  }
0x9e: {  	s9 =	simm.s32 $0x0;
	s21 =	sshll.u32 s7, $0x1;
	s7 =	sadd.s32 s22, s5  }
0x9f: {  	[timem:s9], [sflag:s23] =	dma.local [hbm:s7], s21  }
0xa0: {  	_ =	swait.ge [sflag:s23], s21  }
0xa1: {  	s6 =	ssub.s32 $0x0, s21;
	[sflag:s23] =	ssyncset.done $0x0  }
0xa2: {  	[sflag:s23] =	ssyncadd.s32 s6;
	_ =	sdelay $0x1  }
0xa3: {  	s24 =	simm.s32 $0x1B8B  }
0xa4: {  	_ =	swait.ge [sflag:s24], $0x1  }
0xa5: {  	[sflag:s24] =	ssyncset.done $0x0  }
0xa6: {  	s25 =	simm.s32 $0x1B8E;
	[sflag:s24] =	ssyncadd.s32 $0xFFFFFFFF  }
0xa7: {  	s26 =	simm.s32 $execute0_lowered;
	[smem:$0x3FD2] =	sst s25  }
0xa8: {  	s6 =	sshll.u32 s26, $0x1;
	_ =	strace $0x80000046;
	[dreg:$0x1] =	wrdreg $0xFFFFFFFF  }
0xa9: {  	s28 =	simm.s32 $_size_execute0_lowered;
	s5 =	sadd.s32 s5, s6;
	[dreg:$0x0] =	wrdreg $0x0  }
0xaa: {  	s6 =	sshll.u32 s28, $0x1;
	[dreg:$0x2] =	wrdreg s5  }
0xab: {  	[dreg:$0x3] =	wrdreg s6  }
0xac: {  	[dreg:$0x4] =	wrdreg $0xC0  }
0xad: {  	_ =	task [dreg:s9], $0x5FFFF  }
0xae: {  	[dreg:$0x1] =	wrdreg $0xFFFFFFFF  }
0xaf: {  	[dreg:$0x0] =	wrdreg $0x60  }
0xb0: {  	[dreg:$0x2] =	wrdreg s2  }
0xb1: {  	[dreg:$0x3] =	wrdreg s19  }
0xb2: {  	[dreg:$0x4] =	wrdreg s4  }
0xb3: {  	[dreg:$0x5] =	wrdreg $0x9  }
0xb4: {  	_ =	task.clear_ibuf [dreg:s9], $0x6FFFF;
	_ =	strace $0x90000046  }
0xb5: {  	s29 =	simm.s32 $0x9;
	_ =	strace $0x80000048  }
0xb6: {  	_ =	swait.ge [sflag:s29], $0x1  }
0xb7: {  	[sflag:s29] =	ssyncadd.s32 $0xFFFFFFFF  }
0xb8: {  	_ =	strace $0x90000048  }
0xb9: {  	_ =	sfence  }
0xba: {  	s30 =	sld [smem:$0x0];
	_ =	sdelay $0x2  }
0xbb: {  	s31 =	sshll.u32 s1, $0xD;
	s1 =	sshrl.u32 s1, $0x2  }
0xbc: {  	s3 =	sand.u32 $0x4000, s31;
	s1 =	sadd.s32 s1, s30  }
0xbd: {  	s0 =	sor.u32 s3, s0;
	s1 =	sshll.u32 s1, $0x11  }
0xbe: {  	s0 =	sor.u32 s1, s0  }
0xbf: {  	s0 =	sadd.s32 $0x8F2B, s0  }
0xc0: {  	[sflag:s0] =	ssyncadd.remote.s32 $0x1  }
0xc1: {  	_ =	sfence.sel $0xFFFF  }
0xc2: {  	[dreg:$0x0] =	wrdreg $0xFFFFFFFF;
	(pc) =	sbr.abs _section_cstart, $3  }
0xc3: {  	[dreg:$0x1] =	wrdreg $0xFFFFFFFF  }
0xc4: {  	_ =	task.clear_ibuf [dreg:s9], $0x2FFFF;
	_ =	strace $0x9FFFFFFF  }
0xc5: {  	(tm) =	ssettm $0x7FFFFFFF  }
tec
execute0_lowered:
.L_overlay_start_1:
0x0: {  	(tag) =	ssettag $0x1  }
0x1: {  	s0 =	rddreg [dreg:$0x0]  }
0x2: {  	s2 =	rddreg [dreg:$0x1]  }
0x3: {  	s1 =	srdreg.scid;
	s6 =	stileid.u32  }
0x4: {  	s4 =	rddreg [dreg:$0x2];
	s3 =	simm.s32 $0x0;
	s26 =	simm.s32 $0x80  }
0x5: {  	s29 =	simm.s32 $0x200;
	s16 =	simm.s32 $0x2;
	s31 =	simm.s32 $0x3  }
0x6: {  	s10 =	simm.s32 $0x6;
	s28 =	simm.s32 $0x1A100;
	s30 =	simm.s32 $0x1A900  }
0x7: {  	s1 =	sand.u32 $0x1, s1;
	s5 =	sshll.u32 s6, $0x1;
	s6 =	sshll.u32 s6, $0x2  }
0x8: {  	[smem:$0x7FF] =	sst s3;
	s5 =	sor.u32 s1, s5;
	s6 =	sand.u32 $0x30, s6  }
0x9: {  	_ =	strace $0x80000047;
	s1 =	ssub.s32 $0x2, s1;
	[dreg:$0xc] =	wrdreg s26  }
0xa: {  	[dreg:$0xd] =	wrdreg s29;
	s26 =	simm.s32 $0x19900;
	s7 =	smul.u32 $0xA000, s5  }
0xb: {  	s8 =	sshll.u32 s5, $0x7;
	s5 =	smul.u32 $0x50000, s5;
	s0 =	sadd.s32 s0, s6  }
0xc: {  	s21 =	sshrl.u32 s1, $0x1;
	s6 =	sadd.s32 $0x200, s2;
	s8 =	sand.u32 $0x380, s8  }
0xd: {  	s1 =	ssub.s32 s1, s21;
	s21 =	simm.s32 $0x17100;
	s0 =	sadd.s32 s8, s0  }
0xe: {  	s17 =	sadd.s32 s4, s7;
	s5 =	sshrl.u32 s5, $0x3;
	[dreg:$0x4] =	wrdreg s0  }
0xf: {  	[dreg:$0xe] =	wrdreg s17;
	s18 =	sadd.s32 $0x1400, s17;
	s4 =	sadd.s32 s4, s5  }
0x10: {  	s7 =	sadd.s32 $0x300, s2;
	[dreg:$0x5] =	wrdreg s18;
	s19 =	sadd.s32 $0x2800, s4  }
0x11: {  	s8 =	sadd.s32 $0x400, s2;
	s20 =	sadd.s32 $0x3C00, s4;
	[dreg:$0x6] =	wrdreg s19  }
0x12: {  	s9 =	smax.u32 s1, $0x1;
	s22 =	sadd.s32 $0x5000, s4;
	[dreg:$0x7] =	wrdreg s20  }
0x13: {  	s1 =	simm.s32 $0x100;
	s23 =	sadd.s32 $0x6400, s4;
	[dreg:$0x8] =	wrdreg s22  }
0x14: {  	s5 =	sadd.s32 $0x100, s2;
	s24 =	sadd.s32 $0x7800, s4;
	[dreg:$0x9] =	wrdreg s23  }
0x15: {  	s0 =	simm.s32 $0x5;
	s25 =	sadd.s32 $0x8C00, s4;
	[dreg:$0xa] =	wrdreg s24  }
0x16: {  	v2 =	vlaneseq.u32;
	s17 =	simm.s32 $0x15100;
	s18 =	simm.s32 $0x15900;
	[dreg:$0xb] =	wrdreg s25  }
0x17: {  	vm0 =	vmmov $0xffff;
	v1 =	vshrl.u32 v2, $0x3;
	s19 =	simm.s32 $0x16100;
	s20 =	simm.s32 $0x16900;
	s22 =	simm.s32 $0x17900  }
0x18: {  	v0 =	vand.u32 $0x7, v2;
	v2 =	vor.u32 $0x8, v2;
	v1 =	vmul.u32 $0x8, v1;
	s23 =	simm.s32 $0x18100;
	s24 =	simm.s32 $0x18900;
	s25 =	simm.s32 $0x19100  }
.LBB2_1:
0x19: {  	s13 =	rddreg [dreg:$0x4]  }
0x1a: {  	s14 =	rddreg [dreg:$0xc]  }
0x1b: {  	s15 =	rddreg [dreg:$0xd]  }
0x1c: {  	[tilespmem:s3], [sflag:$0x1] =	stream.strided.gather [hbm4b:s13+s14], $0x100, s15, s14, $0x38;
	[tilespmem:$0x1E100] =	vst v63  }
0x1d: {  	s15 =	simm.s32 $0x1  }
0x1e: {  	_ =	swait.ge [sflag:s15], $0x100  }
0x1f: {  	[sflag:s15] =	ssyncset.done $0x0  }
0x20: {  	[sflag:s15] =	ssyncadd.s32 $0xFFFFFF00  }
0x21: {  	v3 =	vld [tilespmem:$0x0];
	_ =	sdelay $0x4  }
0x22: {  	v4 =	vshrl.u32 v3, $0x3  }
0x23: {  	v4 =	vmul.u32 $0x50, v4  }
0x24: {  	v3 =	vand.u32 $0x7, v3  }
0x25: {  	v3 =	vor.u32 v3, v4  }
0x26: {  	v4 =	vperm.xlane v3, v0;
	_ =	sdelay $0x1  }
0x27: {  	v4 =	vadd.s32 v1, v4;
	_ =	sdelay $0x4  }
0x28: {  	[tilespmem:s1], [sflag:$0x2] =	stream.indirect_vreg.gather [hbm4b:s2+s3], $0x80, v4, vm0, $0xb8;
	[tilespmem:$0x1E100] =	vst v63  }
0x29: {  	s4 =	simm.s32 $0x900  }
0x2a: {  	[tilespmem:s4], [sflag:$0x2] =	stream.indirect_vreg.gather [hbm4b:s5+s3], $0x80, v4, vm0, $0xb8;
	[tilespmem:$0x1E100] =	vst v63  }
0x2b: {  	s29 =	simm.s32 $0x1100;
	v3 =	vperm.xlane v3, v2  }
0x2c: {  	[tilespmem:s29], [sflag:$0x2] =	stream.indirect_vreg.gather [hbm4b:s6+s3], $0x80, v4, vm0, $0xb8;
	[tilespmem:$0x1E100] =	vst v63  }
0x2d: {  	s11 =	simm.s32 $0x1900;
	v3 =	vadd.s32 v1, v3  }
0x2e: {  	[tilespmem:s11], [sflag:$0x2] =	stream.indirect_vreg.gather [hbm4b:s7+s3], $0x80, v4, vm0, $0xb8;
	[tilespmem:$0x1E100] =	vst v63  }
0x2f: {  	s13 =	simm.s32 $0x2100  }
0x30: {  	[tilespmem:s13], [sflag:$0x2] =	stream.indirect_vreg.gather [hbm4b:s8+s3], $0x80, v4, vm0, $0xb8;
	[tilespmem:$0x1E100] =	vst v63  }
0x31: {  	s14 =	simm.s32 $0x2900  }
0x32: {  	[tilespmem:s14], [sflag:$0x2] =	stream.indirect_vreg.gather [hbm4b:s2+s3], $0x80, v3, vm0, $0xb8;
	[tilespmem:$0x1E100] =	vst v63  }
0x33: {  	s15 =	simm.s32 $0x3100  }
0x34: {  	[tilespmem:s15], [sflag:$0x2] =	stream.indirect_vreg.gather [hbm4b:s5+s3], $0x80, v3, vm0, $0xb8;
	[tilespmem:$0x1E100] =	vst v63  }
0x35: {  	s11 =	simm.s32 $0x3900  }
0x36: {  	[tilespmem:s11], [sflag:$0x2] =	stream.indirect_vreg.gather [hbm4b:s6+s3], $0x80, v3, vm0, $0xb8;
	[tilespmem:$0x1E100] =	vst v63  }
0x37: {  	s13 =	simm.s32 $0x4100  }
0x38: {  	[tilespmem:s13], [sflag:$0x2] =	stream.indirect_vreg.gather [hbm4b:s7+s3], $0x80, v3, vm0, $0xb8;
	[tilespmem:$0x1E100] =	vst v63  }
0x39: {  	s14 =	simm.s32 $0x4900  }
0x3a: {  	[tilespmem:s14], [sflag:$0x2] =	stream.indirect_vreg.gather [hbm4b:s8+s3], $0x80, v3, vm0, $0xb8;
	[tilespmem:$0x1E100] =	vst v63  }
0x3b: {  	v3 =	vld [tilespmem:$0x10];
	_ =	sdelay $0x4  }
0x3c: {  	v49 =	vshrl.u32 v3, $0x3  }
0x3d: {  	v4 =	vmul.u32 $0x50, v49  }
0x3e: {  	v3 =	vand.u32 $0x7, v3  }
0x3f: {  	v3 =	vor.u32 v3, v4  }
0x40: {  	v4 =	vperm.xlane v3, v0;
	_ =	sdelay $0x1  }
0x41: {  	v4 =	vadd.s32 v1, v4;
	_ =	sdelay $0x3  }
0x42: {  	s15 =	simm.s32 $0x5100  }
0x43: {  	[tilespmem:s15], [sflag:$0x2] =	stream.indirect_vreg.gather [hbm4b:s2+s3], $0x80, v4, vm0, $0xb8;
	[tilespmem:$0x1E100] =	vst v63  }
0x44: {  	s11 =	simm.s32 $0x5900  }
0x45: {  	[tilespmem:s11], [sflag:$0x2] =	stream.indirect_vreg.gather [hbm4b:s5+s3], $0x80, v4, vm0, $0xb8;
	[tilespmem:$0x1E100] =	vst v63  }
0x46: {  	s13 =	simm.s32 $0x6100;
	v3 =	vperm.xlane v3, v2  }
0x47: {  	[tilespmem:s13], [sflag:$0x2] =	stream.indirect_vreg.gather [hbm4b:s6+s3], $0x80, v4, vm0, $0xb8;
	[tilespmem:$0x1E100] =	vst v63  }
0x48: {  	s14 =	simm.s32 $0x6900;
	v3 =	vadd.s32 v1, v3  }
0x49: {  	[tilespmem:s14], [sflag:$0x2] =	stream.indirect_vreg.gather [hbm4b:s7+s3], $0x80, v4, vm0, $0xb8;
	[tilespmem:$0x1E100] =	vst v63  }
0x4a: {  	s15 =	simm.s32 $0x7100  }
0x4b: {  	[tilespmem:s15], [sflag:$0x2] =	stream.indirect_vreg.gather [hbm4b:s8+s3], $0x80, v4, vm0, $0xb8;
	[tilespmem:$0x1E100] =	vst v63  }
0x4c: {  	s11 =	simm.s32 $0x7900  }
0x4d: {  	[tilespmem:s11], [sflag:$0x2] =	stream.indirect_vreg.gather [hbm4b:s2+s3], $0x80, v3, vm0, $0xb8;
	[tilespmem:$0x1E100] =	vst v63  }
0x4e: {  	s13 =	simm.s32 $0x8100  }
0x4f: {  	[tilespmem:s13], [sflag:$0x2] =	stream.indirect_vreg.gather [hbm4b:s5+s3], $0x80, v3, vm0, $0xb8;
	[tilespmem:$0x1E100] =	vst v63  }
0x50: {  	s14 =	simm.s32 $0x8900  }
0x51: {  	[tilespmem:s14], [sflag:$0x2] =	stream.indirect_vreg.gather [hbm4b:s6+s3], $0x80, v3, vm0, $0xb8;
	[tilespmem:$0x1E100] =	vst v63  }
0x52: {  	s15 =	simm.s32 $0x9100  }
0x53: {  	[tilespmem:s15], [sflag:$0x2] =	stream.indirect_vreg.gather [hbm4b:s7+s3], $0x80, v3, vm0, $0xb8;
	[tilespmem:$0x1E100] =	vst v63  }
0x54: {  	s11 =	simm.s32 $0x9900  }
0x55: {  	[tilespmem:s11], [sflag:$0x2] =	stream.indirect_vreg.gather [hbm4b:s8+s3], $0x80, v3, vm0, $0xb8;
	[tilespmem:$0x1E100] =	vst v63  }
0x56: {  	v3 =	vld [tilespmem:$0x20];
	_ =	sdelay $0x4  }
0x57: {  	v50 =	vshrl.u32 v3, $0x3  }
0x58: {  	v4 =	vmul.u32 $0x50, v50  }
0x59: {  	v3 =	vand.u32 $0x7, v3  }
0x5a: {  	v3 =	vor.u32 v3, v4  }
0x5b: {  	v4 =	vperm.xlane v3, v0;
	_ =	sdelay $0x1  }
0x5c: {  	v4 =	vadd.s32 v1, v4;
	_ =	sdelay $0x3  }
0x5d: {  	s4 =	simm.s32 $0xA100  }
0x5e: {  	[tilespmem:s4], [sflag:$0x3] =	stream.indirect_vreg.gather [hbm4b:s2+s3], $0x80, v4, vm0, $0xb8;
	[tilespmem:$0x1E100] =	vst v63  }
0x5f: {  	s11 =	simm.s32 $0xA900  }
0x60: {  	[tilespmem:s11], [sflag:$0x3] =	stream.indirect_vreg.gather [hbm4b:s5+s3], $0x80, v4, vm0, $0xb8;
	[tilespmem:$0x1E100] =	vst v63  }
0x61: {  	s13 =	simm.s32 $0xB100;
	v3 =	vperm.xlane v3, v2  }
0x62: {  	[tilespmem:s13], [sflag:$0x3] =	stream.indirect_vreg.gather [hbm4b:s6+s3], $0x80, v4, vm0, $0xb8;
	[tilespmem:$0x1E100] =	vst v63  }
0x63: {  	s14 =	simm.s32 $0xB900;
	v3 =	vadd.s32 v1, v3  }
0x64: {  	[tilespmem:s14], [sflag:$0x3] =	stream.indirect_vreg.gather [hbm4b:s7+s3], $0x80, v4, vm0, $0xb8;
	[tilespmem:$0x1E100] =	vst v63  }
0x65: {  	s15 =	simm.s32 $0xC100  }
0x66: {  	[tilespmem:s15], [sflag:$0x3] =	stream.indirect_vreg.gather [hbm4b:s8+s3], $0x80, v4, vm0, $0xb8;
	[tilespmem:$0x1E100] =	vst v63  }
0x67: {  	s13 =	simm.s32 $0xC900  }
0x68: {  	[tilespmem:s13], [sflag:$0x3] =	stream.indirect_vreg.gather [hbm4b:s2+s3], $0x80, v3, vm0, $0xb8;
	[tilespmem:$0x1E100] =	vst v63  }
0x69: {  	s14 =	simm.s32 $0xD100  }
0x6a: {  	[tilespmem:s14], [sflag:$0x3] =	stream.indirect_vreg.gather [hbm4b:s5+s3], $0x80, v3, vm0, $0xb8;
	[tilespmem:$0x1E100] =	vst v63  }
0x6b: {  	s15 =	simm.s32 $0xD900  }
0x6c: {  	[tilespmem:s15], [sflag:$0x3] =	stream.indirect_vreg.gather [hbm4b:s6+s3], $0x80, v3, vm0, $0xb8;
	[tilespmem:$0x1E100] =	vst v63  }
0x6d: {  	s13 =	simm.s32 $0xE100  }
0x6e: {  	[tilespmem:s13], [sflag:$0x3] =	stream.indirect_vreg.gather [hbm4b:s7+s3], $0x80, v3, vm0, $0xb8;
	[tilespmem:$0x1E100] =	vst v63  }
0x6f: {  	s14 =	simm.s32 $0xE900  }
0x70: {  	[tilespmem:s14], [sflag:$0x3] =	stream.indirect_vreg.gather [hbm4b:s8+s3], $0x80, v3, vm0, $0xb8;
	[tilespmem:$0x1E100] =	vst v63  }
0x71: {  	v3 =	vld [tilespmem:$0x30];
	_ =	sdelay $0x4  }
0x72: {  	v51 =	vshrl.u32 v3, $0x3  }
0x73: {  	v4 =	vmul.u32 $0x50, v51  }
0x74: {  	v3 =	vand.u32 $0x7, v3  }
0x75: {  	v3 =	vor.u32 v3, v4  }
0x76: {  	v4 =	vperm.xlane v3, v0;
	_ =	sdelay $0x1  }
0x77: {  	v4 =	vadd.s32 v1, v4;
	_ =	sdelay $0x3  }
0x78: {  	s15 =	simm.s32 $0xF100  }
0x79: {  	[tilespmem:s15], [sflag:$0x3] =	stream.indirect_vreg.gather [hbm4b:s2+s3], $0x80, v4, vm0, $0xb8;
	[tilespmem:$0x1E100] =	vst v63  }
0x7a: {  	s13 =	simm.s32 $0xF900  }
0x7b: {  	[tilespmem:s13], [sflag:$0x3] =	stream.indirect_vreg.gather [hbm4b:s5+s3], $0x80, v4, vm0, $0xb8;
	[tilespmem:$0x1E100] =	vst v63  }
0x7c: {  	s14 =	simm.s32 $0x10100;
	v3 =	vperm.xlane v3, v2  }
0x7d: {  	[tilespmem:s14], [sflag:$0x3] =	stream.indirect_vreg.gather [hbm4b:s6+s3], $0x80, v4, vm0, $0xb8;
	[tilespmem:$0x1E100] =	vst v63  }
0x7e: {  	v3 =	vadd.s32 v1, v3;
	s15 =	simm.s32 $0x10900  }
0x7f: {  	[tilespmem:s15], [sflag:$0x3] =	stream.indirect_vreg.gather [hbm4b:s7+s3], $0x80, v4, vm0, $0xb8;
	[tilespmem:$0x1E100] =	vst v63  }
0x80: {  	s13 =	simm.s32 $0x11100  }
0x81: {  	[tilespmem:s13], [sflag:$0x3] =	stream.indirect_vreg.gather [hbm4b:s8+s3], $0x80, v4, vm0, $0xb8;
	[tilespmem:$0x1E100] =	vst v63  }
0x82: {  	s14 =	simm.s32 $0x11900  }
0x83: {  	[tilespmem:s14], [sflag:$0x3] =	stream.indirect_vreg.gather [hbm4b:s2+s3], $0x80, v3, vm0, $0xb8;
	[tilespmem:$0x1E100] =	vst v63  }
0x84: {  	s15 =	simm.s32 $0x12100  }
0x85: {  	[tilespmem:s15], [sflag:$0x3] =	stream.indirect_vreg.gather [hbm4b:s5+s3], $0x80, v3, vm0, $0xb8;
	[tilespmem:$0x1E100] =	vst v63  }
0x86: {  	s13 =	simm.s32 $0x12900  }
0x87: {  	[tilespmem:s13], [sflag:$0x3] =	stream.indirect_vreg.gather [hbm4b:s6+s3], $0x80, v3, vm0, $0xb8;
	[tilespmem:$0x1E100] =	vst v63  }
0x88: {  	s14 =	simm.s32 $0x13100  }
0x89: {  	[tilespmem:s14], [sflag:$0x3] =	stream.indirect_vreg.gather [hbm4b:s7+s3], $0x80, v3, vm0, $0xb8;
	[tilespmem:$0x1E100] =	vst v63  }
0x8a: {  	s15 =	simm.s32 $0x13900  }
0x8b: {  	[tilespmem:s15], [sflag:$0x3] =	stream.indirect_vreg.gather [hbm4b:s8+s3], $0x80, v3, vm0, $0xb8;
	[tilespmem:$0x1E100] =	vst v63  }
0x8c: {  	_ =	swait.ge [sflag:s16], $0xA000  }
0x8d: {  	[sflag:s16] =	ssyncset.done $0x0  }
0x8e: {  	s11 =	rddreg [dreg:$0xe];
	[sflag:s16] =	ssyncadd.s32 $0xFFFF6000  }
0x8f: {  	[hbm4b:s11+s3] =	stream.linear.scatter [tilespmem:s1], [sflag:$0x5], $0xA000, $0x38;
	[tilespmem:$0x1E100] =	vst v63  }
0x90: {  	v3 =	vld [tilespmem:$0x40];
	_ =	sdelay $0x4  }
0x91: {  	v52 =	vshrl.u32 v3, $0x3  }
0x92: {  	v4 =	vmul.u32 $0x50, v52  }
0x93: {  	v3 =	vand.u32 $0x7, v3  }
0x94: {  	v3 =	vor.u32 v3, v4  }
0x95: {  	v4 =	vperm.xlane v3, v0;
	_ =	sdelay $0x1  }
0x96: {  	v4 =	vadd.s32 v1, v4;
	_ =	sdelay $0x3  }
0x97: {  	s11 =	simm.s32 $0x14100  }
0x98: {  	[tilespmem:s11], [sflag:$0x4] =	stream.indirect_vreg.gather [hbm4b:s2+s3], $0x80, v4, vm0, $0xb8;
	[tilespmem:$0x1E100] =	vst v63  }
0x99: {  	s14 =	simm.s32 $0x14900  }
0x9a: {  	[tilespmem:s14], [sflag:$0x4] =	stream.indirect_vreg.gather [hbm4b:s5+s3], $0x80, v4, vm0, $0xb8;
	[tilespmem:$0x1E100] =	vst v63  }
0x9b: {  	v3 =	vperm.xlane v3, v2  }
0x9c: {  	[tilespmem:s17], [sflag:$0x4] =	stream.indirect_vreg.gather [hbm4b:s6+s3], $0x80, v4, vm0, $0xb8;
	[tilespmem:$0x1E100] =	vst v63  }
0x9d: {  	v3 =	vadd.s32 v1, v3  }
0x9e: {  	[tilespmem:s18], [sflag:$0x4] =	stream.indirect_vreg.gather [hbm4b:s7+s3], $0x80, v4, vm0, $0xb8;
	[tilespmem:$0x1E100] =	vst v63  }
0x9f: {  	_ = 	snop  }
0xa0: {  	[tilespmem:s19], [sflag:$0x4] =	stream.indirect_vreg.gather [hbm4b:s8+s3], $0x80, v4, vm0, $0xb8;
	[tilespmem:$0x1E100] =	vst v63  }
0xa1: {  	_ = 	snop  }
0xa2: {  	[tilespmem:s20], [sflag:$0x4] =	stream.indirect_vreg.gather [hbm4b:s2+s3], $0x80, v3, vm0, $0xb8;
	[tilespmem:$0x1E100] =	vst v63  }
0xa3: {  	_ = 	snop  }
0xa4: {  	[tilespmem:s21], [sflag:$0x4] =	stream.indirect_vreg.gather [hbm4b:s5+s3], $0x80, v3, vm0, $0xb8;
	[tilespmem:$0x1E100] =	vst v63  }
0xa5: {  	_ = 	snop  }
0xa6: {  	[tilespmem:s22], [sflag:$0x4] =	stream.indirect_vreg.gather [hbm4b:s6+s3], $0x80, v3, vm0, $0xb8;
	[tilespmem:$0x1E100] =	vst v63  }
0xa7: {  	_ = 	snop  }
0xa8: {  	[tilespmem:s23], [sflag:$0x4] =	stream.indirect_vreg.gather [hbm4b:s7+s3], $0x80, v3, vm0, $0xb8;
	[tilespmem:$0x1E100] =	vst v63  }
0xa9: {  	_ = 	snop  }
0xaa: {  	[tilespmem:s24], [sflag:$0x4] =	stream.indirect_vreg.gather [hbm4b:s8+s3], $0x80, v3, vm0, $0xb8;
	[tilespmem:$0x1E100] =	vst v63  }
0xab: {  	v3 =	vld [tilespmem:$0x50];
	_ =	sdelay $0x4  }
0xac: {  	v53 =	vshrl.u32 v3, $0x3  }
0xad: {  	v4 =	vmul.u32 $0x50, v53  }
0xae: {  	v3 =	vand.u32 $0x7, v3  }
0xaf: {  	v3 =	vor.u32 v3, v4  }
0xb0: {  	v4 =	vperm.xlane v3, v0;
	_ =	sdelay $0x1  }
0xb1: {  	v4 =	vadd.s32 v1, v4;
	_ =	sdelay $0x4  }
0xb2: {  	[tilespmem:s25], [sflag:$0x4] =	stream.indirect_vreg.gather [hbm4b:s2+s3], $0x80, v4, vm0, $0xb8;
	[tilespmem:$0x1E100] =	vst v63  }
0xb3: {  	_ = 	snop  }
0xb4: {  	[tilespmem:s26], [sflag:$0x4] =	stream.indirect_vreg.gather [hbm4b:s5+s3], $0x80, v4, vm0, $0xb8;
	[tilespmem:$0x1E100] =	vst v63  }
0xb5: {  	v3 =	vperm.xlane v3, v2  }
0xb6: {  	[tilespmem:s28], [sflag:$0x4] =	stream.indirect_vreg.gather [hbm4b:s6+s3], $0x80, v4, vm0, $0xb8;
	[tilespmem:$0x1E100] =	vst v63  }
0xb7: {  	v3 =	vadd.s32 v1, v3  }
0xb8: {  	[tilespmem:s30], [sflag:$0x4] =	stream.indirect_vreg.gather [hbm4b:s7+s3], $0x80, v4, vm0, $0xb8;
	[tilespmem:$0x1E100] =	vst v63  }
0xb9: {  	s15 =	simm.s32 $0x1B100  }
0xba: {  	[tilespmem:s15], [sflag:$0x4] =	stream.indirect_vreg.gather [hbm4b:s8+s3], $0x80, v4, vm0, $0xb8;
	[tilespmem:$0x1E100] =	vst v63  }
0xbb: {  	s14 =	simm.s32 $0x1B900  }
0xbc: {  	[tilespmem:s14], [sflag:$0x4] =	stream.indirect_vreg.gather [hbm4b:s2+s3], $0x80, v3, vm0, $0xb8;
	[tilespmem:$0x1E100] =	vst v63  }
0xbd: {  	s15 =	simm.s32 $0x1C100  }
0xbe: {  	[tilespmem:s15], [sflag:$0x4] =	stream.indirect_vreg.gather [hbm4b:s5+s3], $0x80, v3, vm0, $0xb8;
	[tilespmem:$0x1E100] =	vst v63  }
0xbf: {  	s13 =	simm.s32 $0x1C900  }
0xc0: {  	[tilespmem:s13], [sflag:$0x4] =	stream.indirect_vreg.gather [hbm4b:s6+s3], $0x80, v3, vm0, $0xb8;
	[tilespmem:$0x1E100] =	vst v63  }
0xc1: {  	s13 =	simm.s32 $0x1D100  }
0xc2: {  	[tilespmem:s13], [sflag:$0x4] =	stream.indirect_vreg.gather [hbm4b:s7+s3], $0x80, v3, vm0, $0xb8;
	[tilespmem:$0x1E100] =	vst v63  }
0xc3: {  	s13 =	simm.s32 $0x1D900  }
0xc4: {  	[tilespmem:s13], [sflag:$0x4] =	stream.indirect_vreg.gather [hbm4b:s8+s3], $0x80, v3, vm0, $0xb8;
	[tilespmem:$0x1E100] =	vst v63  }
0xc5: {  	_ =	swait.ge [sflag:s31], $0xA000  }
0xc6: {  	[sflag:s31] =	ssyncset.done $0x0  }
0xc7: {  	s13 =	rddreg [dreg:$0x5];
	[sflag:s31] =	ssyncadd.s32 $0xFFFF6000  }
0xc8: {  	[hbm4b:s13+s3] =	stream.linear.scatter [tilespmem:s4], [sflag:$0x6], $0xA000, $0x38;
	[tilespmem:$0x1E100] =	vst v63  }
0xc9: {  	_ =	swait.ge [sflag:s0], $0xA000  }
0xca: {  	[sflag:s0] =	ssyncset.done $0x0  }
0xcb: {  	[sflag:s0] =	ssyncadd.s32 $0xFFFF6000  }
0xcc: {  	v3 =	vld [tilespmem:$0x60];
	_ =	sdelay $0x4  }
0xcd: {  	v54 =	vshrl.u32 v3, $0x3  }
0xce: {  	v4 =	vmul.u32 $0x50, v54  }
0xcf: {  	v3 =	vand.u32 $0x7, v3  }
0xd0: {  	v3 =	vor.u32 v3, v4  }
0xd1: {  	v4 =	vperm.xlane v3, v0;
	_ =	sdelay $0x1  }
0xd2: {  	v4 =	vadd.s32 v1, v4;
	_ =	sdelay $0x4  }
0xd3: {  	[tilespmem:s1], [sflag:$0x2] =	stream.indirect_vreg.gather [hbm4b:s2+s3], $0x80, v4, vm0, $0xb8;
	[tilespmem:$0x1E100] =	vst v63  }
0xd4: {  	s12 =	simm.s32 $0x900  }
0xd5: {  	[tilespmem:s12], [sflag:$0x2] =	stream.indirect_vreg.gather [hbm4b:s5+s3], $0x80, v4, vm0, $0xb8;
	[tilespmem:$0x1E100] =	vst v63  }
0xd6: {  	s29 =	simm.s32 $0x1100;
	v3 =	vperm.xlane v3, v2  }
0xd7: {  	[tilespmem:s29], [sflag:$0x2] =	stream.indirect_vreg.gather [hbm4b:s6+s3], $0x80, v4, vm0, $0xb8;
	[tilespmem:$0x1E100] =	vst v63  }
0xd8: {  	v3 =	vadd.s32 v1, v3;
	s29 =	simm.s32 $0x1900  }
0xd9: {  	[tilespmem:s29], [sflag:$0x2] =	stream.indirect_vreg.gather [hbm4b:s7+s3], $0x80, v4, vm0, $0xb8;
	[tilespmem:$0x1E100] =	vst v63  }
0xda: {  	s13 =	simm.s32 $0x2100  }
0xdb: {  	[tilespmem:s13], [sflag:$0x2] =	stream.indirect_vreg.gather [hbm4b:s8+s3], $0x80, v4, vm0, $0xb8;
	[tilespmem:$0x1E100] =	vst v63  }
0xdc: {  	s29 =	simm.s32 $0x2900  }
0xdd: {  	[tilespmem:s29], [sflag:$0x2] =	stream.indirect_vreg.gather [hbm4b:s2+s3], $0x80, v3, vm0, $0xb8;
	[tilespmem:$0x1E100] =	vst v63  }
0xde: {  	s13 =	simm.s32 $0x3100  }
0xdf: {  	[tilespmem:s13], [sflag:$0x2] =	stream.indirect_vreg.gather [hbm4b:s5+s3], $0x80, v3, vm0, $0xb8;
	[tilespmem:$0x1E100] =	vst v63  }
0xe0: {  	s29 =	simm.s32 $0x3900  }
0xe1: {  	[tilespmem:s29], [sflag:$0x2] =	stream.indirect_vreg.gather [hbm4b:s6+s3], $0x80, v3, vm0, $0xb8;
	[tilespmem:$0x1E100] =	vst v63  }
0xe2: {  	s13 =	simm.s32 $0x4100  }
0xe3: {  	[tilespmem:s13], [sflag:$0x2] =	stream.indirect_vreg.gather [hbm4b:s7+s3], $0x80, v3, vm0, $0xb8;
	[tilespmem:$0x1E100] =	vst v63  }
0xe4: {  	s29 =	simm.s32 $0x4900  }
0xe5: {  	[tilespmem:s29], [sflag:$0x2] =	stream.indirect_vreg.gather [hbm4b:s8+s3], $0x80, v3, vm0, $0xb8;
	[tilespmem:$0x1E100] =	vst v63  }
0xe6: {  	v3 =	vld [tilespmem:$0x70];
	_ =	sdelay $0x4  }
0xe7: {  	v55 =	vshrl.u32 v3, $0x3  }
0xe8: {  	v4 =	vmul.u32 $0x50, v55  }
0xe9: {  	v3 =	vand.u32 $0x7, v3  }
0xea: {  	v3 =	vor.u32 v3, v4  }
0xeb: {  	v4 =	vperm.xlane v3, v0;
	_ =	sdelay $0x1  }
0xec: {  	v4 =	vadd.s32 v1, v4;
	_ =	sdelay $0x3  }
0xed: {  	s13 =	simm.s32 $0x5100  }
0xee: {  	[tilespmem:s13], [sflag:$0x2] =	stream.indirect_vreg.gather [hbm4b:s2+s3], $0x80, v4, vm0, $0xb8;
	[tilespmem:$0x1E100] =	vst v63  }
0xef: {  	s29 =	simm.s32 $0x5900  }
0xf0: {  	[tilespmem:s29], [sflag:$0x2] =	stream.indirect_vreg.gather [hbm4b:s5+s3], $0x80, v4, vm0, $0xb8;
	[tilespmem:$0x1E100] =	vst v63  }
0xf1: {  	v3 =	vperm.xlane v3, v2;
	s13 =	simm.s32 $0x6100  }
0xf2: {  	[tilespmem:s13], [sflag:$0x2] =	stream.indirect_vreg.gather [hbm4b:s6+s3], $0x80, v4, vm0, $0xb8;
	[tilespmem:$0x1E100] =	vst v63  }
0xf3: {  	v3 =	vadd.s32 v1, v3;
	s29 =	simm.s32 $0x6900  }
0xf4: {  	[tilespmem:s29], [sflag:$0x2] =	stream.indirect_vreg.gather [hbm4b:s7+s3], $0x80, v4, vm0, $0xb8;
	[tilespmem:$0x1E100] =	vst v63  }
0xf5: {  	s13 =	simm.s32 $0x7100  }
0xf6: {  	[tilespmem:s13], [sflag:$0x2] =	stream.indirect_vreg.gather [hbm4b:s8+s3], $0x80, v4, vm0, $0xb8;
	[tilespmem:$0x1E100] =	vst v63  }
0xf7: {  	s29 =	simm.s32 $0x7900  }
0xf8: {  	[tilespmem:s29], [sflag:$0x2] =	stream.indirect_vreg.gather [hbm4b:s2+s3], $0x80, v3, vm0, $0xb8;
	[tilespmem:$0x1E100] =	vst v63  }
0xf9: {  	s13 =	simm.s32 $0x8100  }
0xfa: {  	[tilespmem:s13], [sflag:$0x2] =	stream.indirect_vreg.gather [hbm4b:s5+s3], $0x80, v3, vm0, $0xb8;
	[tilespmem:$0x1E100] =	vst v63  }
0xfb: {  	s29 =	simm.s32 $0x8900  }
0xfc: {  	[tilespmem:s29], [sflag:$0x2] =	stream.indirect_vreg.gather [hbm4b:s6+s3], $0x80, v3, vm0, $0xb8;
	[tilespmem:$0x1E100] =	vst v63  }
0xfd: {  	s13 =	simm.s32 $0x9100  }
0xfe: {  	[tilespmem:s13], [sflag:$0x2] =	stream.indirect_vreg.gather [hbm4b:s7+s3], $0x80, v3, vm0, $0xb8;
	[tilespmem:$0x1E100] =	vst v63  }
0xff: {  	s29 =	simm.s32 $0x9900  }
0x100: {  	[tilespmem:s29], [sflag:$0x2] =	stream.indirect_vreg.gather [hbm4b:s8+s3], $0x80, v3, vm0, $0xb8;
	[tilespmem:$0x1E100] =	vst v63  }
0x101: {  	s29 =	simm.s32 $0x4  }
0x102: {  	_ =	swait.ge [sflag:s29], $0xA000  }
0x103: {  	[sflag:s29] =	ssyncset.done $0x0  }
0x104: {  	s12 =	rddreg [dreg:$0x6];
	[sflag:s29] =	ssyncadd.s32 $0xFFFF6000  }
0x105: {  	[hbm4b:s12+s3] =	stream.linear.scatter [tilespmem:s11], [sflag:$0x7], $0xA000, $0x38;
	[tilespmem:$0x1E100] =	vst v63  }
0x106: {  	_ =	swait.ge [sflag:s10], $0xA000  }
0x107: {  	[sflag:s10] =	ssyncset.done $0x0  }
0x108: {  	[sflag:s10] =	ssyncadd.s32 $0xFFFF6000  }
0x109: {  	v3 =	vld [tilespmem:$0x80];
	_ =	sdelay $0x4  }
0x10a: {  	v56 =	vshrl.u32 v3, $0x3  }
0x10b: {  	v4 =	vmul.u32 $0x50, v56  }
0x10c: {  	v3 =	vand.u32 $0x7, v3  }
0x10d: {  	v3 =	vor.u32 v3, v4  }
0x10e: {  	v4 =	vperm.xlane v3, v0;
	_ =	sdelay $0x1  }
0x10f: {  	v4 =	vadd.s32 v1, v4;
	_ =	sdelay $0x4  }
0x110: {  	[tilespmem:s4], [sflag:$0x3] =	stream.indirect_vreg.gather [hbm4b:s2+s3], $0x80, v4, vm0, $0xb8;
	[tilespmem:$0x1E100] =	vst v63  }
0x111: {  	s13 =	simm.s32 $0xA900  }
0x112: {  	[tilespmem:s13], [sflag:$0x3] =	stream.indirect_vreg.gather [hbm4b:s5+s3], $0x80, v4, vm0, $0xb8;
	[tilespmem:$0x1E100] =	vst v63  }
0x113: {  	v3 =	vperm.xlane v3, v2;
	s13 =	simm.s32 $0xB100  }
0x114: {  	[tilespmem:s13], [sflag:$0x3] =	stream.indirect_vreg.gather [hbm4b:s6+s3], $0x80, v4, vm0, $0xb8;
	[tilespmem:$0x1E100] =	vst v63  }
0x115: {  	v3 =	vadd.s32 v1, v3;
	s13 =	simm.s32 $0xB900  }
0x116: {  	[tilespmem:s13], [sflag:$0x3] =	stream.indirect_vreg.gather [hbm4b:s7+s3], $0x80, v4, vm0, $0xb8;
	[tilespmem:$0x1E100] =	vst v63  }
0x117: {  	s13 =	simm.s32 $0xC100  }
0x118: {  	[tilespmem:s13], [sflag:$0x3] =	stream.indirect_vreg.gather [hbm4b:s8+s3], $0x80, v4, vm0, $0xb8;
	[tilespmem:$0x1E100] =	vst v63  }
0x119: {  	s13 =	simm.s32 $0xC900  }
0x11a: {  	[tilespmem:s13], [sflag:$0x3] =	stream.indirect_vreg.gather [hbm4b:s2+s3], $0x80, v3, vm0, $0xb8;
	[tilespmem:$0x1E100] =	vst v63  }
0x11b: {  	s13 =	simm.s32 $0xD100  }
0x11c: {  	[tilespmem:s13], [sflag:$0x3] =	stream.indirect_vreg.gather [hbm4b:s5+s3], $0x80, v3, vm0, $0xb8;
	[tilespmem:$0x1E100] =	vst v63  }
0x11d: {  	s13 =	simm.s32 $0xD900  }
0x11e: {  	[tilespmem:s13], [sflag:$0x3] =	stream.indirect_vreg.gather [hbm4b:s6+s3], $0x80, v3, vm0, $0xb8;
	[tilespmem:$0x1E100] =	vst v63  }
0x11f: {  	s13 =	simm.s32 $0xE100  }
0x120: {  	[tilespmem:s13], [sflag:$0x3] =	stream.indirect_vreg.gather [hbm4b:s7+s3], $0x80, v3, vm0, $0xb8;
	[tilespmem:$0x1E100] =	vst v63  }
0x121: {  	s13 =	simm.s32 $0xE900  }
0x122: {  	[tilespmem:s13], [sflag:$0x3] =	stream.indirect_vreg.gather [hbm4b:s8+s3], $0x80, v3, vm0, $0xb8;
	[tilespmem:$0x1E100] =	vst v63  }
0x123: {  	v3 =	vld [tilespmem:$0x90];
	_ =	sdelay $0x4  }
0x124: {  	v57 =	vshrl.u32 v3, $0x3  }
0x125: {  	v4 =	vmul.u32 $0x50, v57  }
0x126: {  	v3 =	vand.u32 $0x7, v3  }
0x127: {  	v3 =	vor.u32 v3, v4  }
0x128: {  	v4 =	vperm.xlane v3, v0;
	_ =	sdelay $0x1  }
0x129: {  	v4 =	vadd.s32 v1, v4;
	_ =	sdelay $0x3  }
0x12a: {  	s13 =	simm.s32 $0xF100  }
0x12b: {  	[tilespmem:s13], [sflag:$0x3] =	stream.indirect_vreg.gather [hbm4b:s2+s3], $0x80, v4, vm0, $0xb8;
	[tilespmem:$0x1E100] =	vst v63  }
0x12c: {  	s13 =	simm.s32 $0xF900  }
0x12d: {  	[tilespmem:s13], [sflag:$0x3] =	stream.indirect_vreg.gather [hbm4b:s5+s3], $0x80, v4, vm0, $0xb8;
	[tilespmem:$0x1E100] =	vst v63  }
0x12e: {  	v3 =	vperm.xlane v3, v2;
	s13 =	simm.s32 $0x10100  }
0x12f: {  	[tilespmem:s13], [sflag:$0x3] =	stream.indirect_vreg.gather [hbm4b:s6+s3], $0x80, v4, vm0, $0xb8;
	[tilespmem:$0x1E100] =	vst v63  }
0x130: {  	v3 =	vadd.s32 v1, v3;
	s13 =	simm.s32 $0x10900  }
0x131: {  	[tilespmem:s13], [sflag:$0x3] =	stream.indirect_vreg.gather [hbm4b:s7+s3], $0x80, v4, vm0, $0xb8;
	[tilespmem:$0x1E100] =	vst v63  }
0x132: {  	s13 =	simm.s32 $0x11100  }
0x133: {  	[tilespmem:s13], [sflag:$0x3] =	stream.indirect_vreg.gather [hbm4b:s8+s3], $0x80, v4, vm0, $0xb8;
	[tilespmem:$0x1E100] =	vst v63  }
0x134: {  	s13 =	simm.s32 $0x11900  }
0x135: {  	[tilespmem:s13], [sflag:$0x3] =	stream.indirect_vreg.gather [hbm4b:s2+s3], $0x80, v3, vm0, $0xb8;
	[tilespmem:$0x1E100] =	vst v63  }
0x136: {  	s13 =	simm.s32 $0x12100  }
0x137: {  	[tilespmem:s13], [sflag:$0x3] =	stream.indirect_vreg.gather [hbm4b:s5+s3], $0x80, v3, vm0, $0xb8;
	[tilespmem:$0x1E100] =	vst v63  }
0x138: {  	s13 =	simm.s32 $0x12900  }
0x139: {  	[tilespmem:s13], [sflag:$0x3] =	stream.indirect_vreg.gather [hbm4b:s6+s3], $0x80, v3, vm0, $0xb8;
	[tilespmem:$0x1E100] =	vst v63  }
0x13a: {  	s13 =	simm.s32 $0x13100  }
0x13b: {  	[tilespmem:s13], [sflag:$0x3] =	stream.indirect_vreg.gather [hbm4b:s7+s3], $0x80, v3, vm0, $0xb8;
	[tilespmem:$0x1E100] =	vst v63  }
0x13c: {  	s13 =	simm.s32 $0x13900  }
0x13d: {  	[tilespmem:s13], [sflag:$0x3] =	stream.indirect_vreg.gather [hbm4b:s8+s3], $0x80, v3, vm0, $0xb8;
	[tilespmem:$0x1E100] =	vst v63  }
0x13e: {  	_ =	swait.ge [sflag:s16], $0xA000  }
0x13f: {  	[sflag:s16] =	ssyncset.done $0x0  }
0x140: {  	s12 =	rddreg [dreg:$0x7];
	[sflag:s16] =	ssyncadd.s32 $0xFFFF6000  }
0x141: {  	[hbm4b:s12+s3] =	stream.linear.scatter [tilespmem:s1], [sflag:$0x5], $0xA000, $0x38;
	[tilespmem:$0x1E100] =	vst v63  }
0x142: {  	s12 =	simm.s32 $0x7  }
0x143: {  	_ =	swait.ge [sflag:s12], $0xA000  }
0x144: {  	[sflag:s12] =	ssyncset.done $0x0  }
0x145: {  	[sflag:s12] =	ssyncadd.s32 $0xFFFF6000  }
0x146: {  	v3 =	vld [tilespmem:$0xA0];
	_ =	sdelay $0x4  }
0x147: {  	v58 =	vshrl.u32 v3, $0x3  }
0x148: {  	v4 =	vmul.u32 $0x50, v58  }
0x149: {  	v3 =	vand.u32 $0x7, v3  }
0x14a: {  	v3 =	vor.u32 v3, v4  }
0x14b: {  	v4 =	vperm.xlane v3, v0;
	_ =	sdelay $0x1  }
0x14c: {  	v4 =	vadd.s32 v1, v4;
	_ =	sdelay $0x4  }
0x14d: {  	[tilespmem:s11], [sflag:$0x4] =	stream.indirect_vreg.gather [hbm4b:s2+s3], $0x80, v4, vm0, $0xb8;
	[tilespmem:$0x1E100] =	vst v63  }
0x14e: {  	s13 =	simm.s32 $0x14900  }
0x14f: {  	[tilespmem:s13], [sflag:$0x4] =	stream.indirect_vreg.gather [hbm4b:s5+s3], $0x80, v4, vm0, $0xb8;
	[tilespmem:$0x1E100] =	vst v63  }
0x150: {  	v3 =	vperm.xlane v3, v2  }
0x151: {  	[tilespmem:s17], [sflag:$0x4] =	stream.indirect_vreg.gather [hbm4b:s6+s3], $0x80, v4, vm0, $0xb8;
	[tilespmem:$0x1E100] =	vst v63  }
0x152: {  	v3 =	vadd.s32 v1, v3  }
0x153: {  	[tilespmem:s18], [sflag:$0x4] =	stream.indirect_vreg.gather [hbm4b:s7+s3], $0x80, v4, vm0, $0xb8;
	[tilespmem:$0x1E100] =	vst v63  }
0x154: {  	_ = 	snop  }
0x155: {  	[tilespmem:s19], [sflag:$0x4] =	stream.indirect_vreg.gather [hbm4b:s8+s3], $0x80, v4, vm0, $0xb8;
	[tilespmem:$0x1E100] =	vst v63  }
0x156: {  	_ = 	snop  }
0x157: {  	[tilespmem:s20], [sflag:$0x4] =	stream.indirect_vreg.gather [hbm4b:s2+s3], $0x80, v3, vm0, $0xb8;
	[tilespmem:$0x1E100] =	vst v63  }
0x158: {  	_ = 	snop  }
0x159: {  	[tilespmem:s21], [sflag:$0x4] =	stream.indirect_vreg.gather [hbm4b:s5+s3], $0x80, v3, vm0, $0xb8;
	[tilespmem:$0x1E100] =	vst v63  }
0x15a: {  	_ = 	snop  }
0x15b: {  	[tilespmem:s22], [sflag:$0x4] =	stream.indirect_vreg.gather [hbm4b:s6+s3], $0x80, v3, vm0, $0xb8;
	[tilespmem:$0x1E100] =	vst v63  }
0x15c: {  	_ = 	snop  }
0x15d: {  	[tilespmem:s23], [sflag:$0x4] =	stream.indirect_vreg.gather [hbm4b:s7+s3], $0x80, v3, vm0, $0xb8;
	[tilespmem:$0x1E100] =	vst v63  }
0x15e: {  	_ = 	snop  }
0x15f: {  	[tilespmem:s24], [sflag:$0x4] =	stream.indirect_vreg.gather [hbm4b:s8+s3], $0x80, v3, vm0, $0xb8;
	[tilespmem:$0x1E100] =	vst v63  }
0x160: {  	v3 =	vld [tilespmem:$0xB0];
	_ =	sdelay $0x4  }
0x161: {  	v59 =	vshrl.u32 v3, $0x3  }
0x162: {  	v4 =	vmul.u32 $0x50, v59  }
0x163: {  	v3 =	vand.u32 $0x7, v3  }
0x164: {  	v3 =	vor.u32 v3, v4  }
0x165: {  	v4 =	vperm.xlane v3, v0;
	_ =	sdelay $0x1  }
0x166: {  	v4 =	vadd.s32 v1, v4;
	_ =	sdelay $0x4  }
0x167: {  	[tilespmem:s25], [sflag:$0x4] =	stream.indirect_vreg.gather [hbm4b:s2+s3], $0x80, v4, vm0, $0xb8;
	[tilespmem:$0x1E100] =	vst v63  }
0x168: {  	_ = 	snop  }
0x169: {  	[tilespmem:s26], [sflag:$0x4] =	stream.indirect_vreg.gather [hbm4b:s5+s3], $0x80, v4, vm0, $0xb8;
	[tilespmem:$0x1E100] =	vst v63  }
0x16a: {  	v3 =	vperm.xlane v3, v2  }
0x16b: {  	[tilespmem:s28], [sflag:$0x4] =	stream.indirect_vreg.gather [hbm4b:s6+s3], $0x80, v4, vm0, $0xb8;
	[tilespmem:$0x1E100] =	vst v63  }
0x16c: {  	v3 =	vadd.s32 v1, v3  }
0x16d: {  	[tilespmem:s30], [sflag:$0x4] =	stream.indirect_vreg.gather [hbm4b:s7+s3], $0x80, v4, vm0, $0xb8;
	[tilespmem:$0x1E100] =	vst v63  }
0x16e: {  	s13 =	simm.s32 $0x1B100  }
0x16f: {  	[tilespmem:s13], [sflag:$0x4] =	stream.indirect_vreg.gather [hbm4b:s8+s3], $0x80, v4, vm0, $0xb8;
	[tilespmem:$0x1E100] =	vst v63  }
0x170: {  	_ = 	snop  }
0x171: {  	[tilespmem:s14], [sflag:$0x4] =	stream.indirect_vreg.gather [hbm4b:s2+s3], $0x80, v3, vm0, $0xb8;
	[tilespmem:$0x1E100] =	vst v63  }
0x172: {  	_ = 	snop  }
0x173: {  	[tilespmem:s15], [sflag:$0x4] =	stream.indirect_vreg.gather [hbm4b:s5+s3], $0x80, v3, vm0, $0xb8;
	[tilespmem:$0x1E100] =	vst v63  }
0x174: {  	s14 =	simm.s32 $0x1C900  }
0x175: {  	[tilespmem:s14], [sflag:$0x4] =	stream.indirect_vreg.gather [hbm4b:s6+s3], $0x80, v3, vm0, $0xb8;
	[tilespmem:$0x1E100] =	vst v63  }
0x176: {  	s15 =	simm.s32 $0x1D100  }
0x177: {  	[tilespmem:s15], [sflag:$0x4] =	stream.indirect_vreg.gather [hbm4b:s7+s3], $0x80, v3, vm0, $0xb8;
	[tilespmem:$0x1E100] =	vst v63  }
0x178: {  	s14 =	simm.s32 $0x1D900  }
0x179: {  	[tilespmem:s14], [sflag:$0x4] =	stream.indirect_vreg.gather [hbm4b:s8+s3], $0x80, v3, vm0, $0xb8;
	[tilespmem:$0x1E100] =	vst v63  }
0x17a: {  	_ =	swait.ge [sflag:s31], $0xA000  }
0x17b: {  	[sflag:s31] =	ssyncset.done $0x0  }
0x17c: {  	s15 =	rddreg [dreg:$0x8];
	[sflag:s31] =	ssyncadd.s32 $0xFFFF6000  }
0x17d: {  	[hbm4b:s15+s3] =	stream.linear.scatter [tilespmem:s4], [sflag:$0x6], $0xA000, $0x38;
	[tilespmem:$0x1E100] =	vst v63  }
0x17e: {  	_ =	swait.ge [sflag:s0], $0xA000  }
0x17f: {  	[sflag:s0] =	ssyncset.done $0x0  }
0x180: {  	[sflag:s0] =	ssyncadd.s32 $0xFFFF6000  }
0x181: {  	v3 =	vld [tilespmem:$0xC0];
	_ =	sdelay $0x4  }
0x182: {  	v60 =	vshrl.u32 v3, $0x3  }
0x183: {  	v4 =	vmul.u32 $0x50, v60  }
0x184: {  	v3 =	vand.u32 $0x7, v3  }
0x185: {  	v3 =	vor.u32 v3, v4  }
0x186: {  	v4 =	vperm.xlane v3, v0;
	_ =	sdelay $0x1  }
0x187: {  	v4 =	vadd.s32 v1, v4;
	_ =	sdelay $0x4  }
0x188: {  	[tilespmem:s1], [sflag:$0x2] =	stream.indirect_vreg.gather [hbm4b:s2+s3], $0x80, v4, vm0, $0xb8;
	[tilespmem:$0x1E100] =	vst v63  }
0x189: {  	s14 =	simm.s32 $0x900  }
0x18a: {  	[tilespmem:s14], [sflag:$0x2] =	stream.indirect_vreg.gather [hbm4b:s5+s3], $0x80, v4, vm0, $0xb8;
	[tilespmem:$0x1E100] =	vst v63  }
0x18b: {  	s15 =	simm.s32 $0x1100;
	v3 =	vperm.xlane v3, v2  }
0x18c: {  	[tilespmem:s15], [sflag:$0x2] =	stream.indirect_vreg.gather [hbm4b:s6+s3], $0x80, v4, vm0, $0xb8;
	[tilespmem:$0x1E100] =	vst v63  }
0x18d: {  	v3 =	vadd.s32 v1, v3;
	s14 =	simm.s32 $0x1900  }
0x18e: {  	[tilespmem:s14], [sflag:$0x2] =	stream.indirect_vreg.gather [hbm4b:s7+s3], $0x80, v4, vm0, $0xb8;
	[tilespmem:$0x1E100] =	vst v63  }
0x18f: {  	s15 =	simm.s32 $0x2100  }
0x190: {  	[tilespmem:s15], [sflag:$0x2] =	stream.indirect_vreg.gather [hbm4b:s8+s3], $0x80, v4, vm0, $0xb8;
	[tilespmem:$0x1E100] =	vst v63  }
0x191: {  	s14 =	simm.s32 $0x2900  }
0x192: {  	[tilespmem:s14], [sflag:$0x2] =	stream.indirect_vreg.gather [hbm4b:s2+s3], $0x80, v3, vm0, $0xb8;
	[tilespmem:$0x1E100] =	vst v63  }
0x193: {  	s15 =	simm.s32 $0x3100  }
0x194: {  	[tilespmem:s15], [sflag:$0x2] =	stream.indirect_vreg.gather [hbm4b:s5+s3], $0x80, v3, vm0, $0xb8;
	[tilespmem:$0x1E100] =	vst v63  }
0x195: {  	s14 =	simm.s32 $0x3900  }
0x196: {  	[tilespmem:s14], [sflag:$0x2] =	stream.indirect_vreg.gather [hbm4b:s6+s3], $0x80, v3, vm0, $0xb8;
	[tilespmem:$0x1E100] =	vst v63  }
0x197: {  	s15 =	simm.s32 $0x4100  }
0x198: {  	[tilespmem:s15], [sflag:$0x2] =	stream.indirect_vreg.gather [hbm4b:s7+s3], $0x80, v3, vm0, $0xb8;
	[tilespmem:$0x1E100] =	vst v63  }
0x199: {  	s14 =	simm.s32 $0x4900  }
0x19a: {  	[tilespmem:s14], [sflag:$0x2] =	stream.indirect_vreg.gather [hbm4b:s8+s3], $0x80, v3, vm0, $0xb8;
	[tilespmem:$0x1E100] =	vst v63  }
0x19b: {  	v3 =	vld [tilespmem:$0xD0];
	_ =	sdelay $0x4  }
0x19c: {  	v61 =	vshrl.u32 v3, $0x3  }
0x19d: {  	v4 =	vmul.u32 $0x50, v61  }
0x19e: {  	v3 =	vand.u32 $0x7, v3  }
0x19f: {  	v3 =	vor.u32 v3, v4  }
0x1a0: {  	v4 =	vperm.xlane v3, v0;
	_ =	sdelay $0x1  }
0x1a1: {  	v4 =	vadd.s32 v1, v4;
	_ =	sdelay $0x3  }
0x1a2: {  	s15 =	simm.s32 $0x5100  }
0x1a3: {  	[tilespmem:s15], [sflag:$0x2] =	stream.indirect_vreg.gather [hbm4b:s2+s3], $0x80, v4, vm0, $0xb8;
	[tilespmem:$0x1E100] =	vst v63  }
0x1a4: {  	s14 =	simm.s32 $0x5900  }
0x1a5: {  	[tilespmem:s14], [sflag:$0x2] =	stream.indirect_vreg.gather [hbm4b:s5+s3], $0x80, v4, vm0, $0xb8;
	[tilespmem:$0x1E100] =	vst v63  }
0x1a6: {  	v3 =	vperm.xlane v3, v2;
	s15 =	simm.s32 $0x6100  }
0x1a7: {  	[tilespmem:s15], [sflag:$0x2] =	stream.indirect_vreg.gather [hbm4b:s6+s3], $0x80, v4, vm0, $0xb8;
	[tilespmem:$0x1E100] =	vst v63  }
0x1a8: {  	v3 =	vadd.s32 v1, v3;
	s14 =	simm.s32 $0x6900  }
0x1a9: {  	[tilespmem:s14], [sflag:$0x2] =	stream.indirect_vreg.gather [hbm4b:s7+s3], $0x80, v4, vm0, $0xb8;
	[tilespmem:$0x1E100] =	vst v63  }
0x1aa: {  	s15 =	simm.s32 $0x7100  }
0x1ab: {  	[tilespmem:s15], [sflag:$0x2] =	stream.indirect_vreg.gather [hbm4b:s8+s3], $0x80, v4, vm0, $0xb8;
	[tilespmem:$0x1E100] =	vst v63  }
0x1ac: {  	s14 =	simm.s32 $0x7900  }
0x1ad: {  	[tilespmem:s14], [sflag:$0x2] =	stream.indirect_vreg.gather [hbm4b:s2+s3], $0x80, v3, vm0, $0xb8;
	[tilespmem:$0x1E100] =	vst v63  }
0x1ae: {  	s15 =	simm.s32 $0x8100  }
0x1af: {  	[tilespmem:s15], [sflag:$0x2] =	stream.indirect_vreg.gather [hbm4b:s5+s3], $0x80, v3, vm0, $0xb8;
	[tilespmem:$0x1E100] =	vst v63  }
0x1b0: {  	s14 =	simm.s32 $0x8900  }
0x1b1: {  	[tilespmem:s14], [sflag:$0x2] =	stream.indirect_vreg.gather [hbm4b:s6+s3], $0x80, v3, vm0, $0xb8;
	[tilespmem:$0x1E100] =	vst v63  }
0x1b2: {  	s15 =	simm.s32 $0x9100  }
0x1b3: {  	[tilespmem:s15], [sflag:$0x2] =	stream.indirect_vreg.gather [hbm4b:s7+s3], $0x80, v3, vm0, $0xb8;
	[tilespmem:$0x1E100] =	vst v63  }
0x1b4: {  	s14 =	simm.s32 $0x9900  }
0x1b5: {  	[tilespmem:s14], [sflag:$0x2] =	stream.indirect_vreg.gather [hbm4b:s8+s3], $0x80, v3, vm0, $0xb8;
	[tilespmem:$0x1E100] =	vst v63  }
0x1b6: {  	_ =	swait.ge [sflag:s29], $0xA000  }
0x1b7: {  	[sflag:s29] =	ssyncset.done $0x0  }
0x1b8: {  	s15 =	rddreg [dreg:$0x9];
	[sflag:s29] =	ssyncadd.s32 $0xFFFF6000  }
0x1b9: {  	[hbm4b:s15+s3] =	stream.linear.scatter [tilespmem:s11], [sflag:$0x7], $0xA000, $0x38;
	[tilespmem:$0x1E100] =	vst v63  }
0x1ba: {  	_ =	swait.ge [sflag:s10], $0xA000  }
0x1bb: {  	[sflag:s10] =	ssyncset.done $0x0  }
0x1bc: {  	[sflag:s10] =	ssyncadd.s32 $0xFFFF6000  }
0x1bd: {  	v3 =	vld [tilespmem:$0xE0];
	_ =	sdelay $0x4  }
0x1be: {  	v62 =	vshrl.u32 v3, $0x3  }
0x1bf: {  	v4 =	vmul.u32 $0x50, v62  }
0x1c0: {  	v3 =	vand.u32 $0x7, v3  }
0x1c1: {  	v3 =	vor.u32 v3, v4  }
0x1c2: {  	v4 =	vperm.xlane v3, v0;
	_ =	sdelay $0x1  }
0x1c3: {  	v4 =	vadd.s32 v1, v4;
	_ =	sdelay $0x4  }
0x1c4: {  	[tilespmem:s4], [sflag:$0x3] =	stream.indirect_vreg.gather [hbm4b:s2+s3], $0x80, v4, vm0, $0xb8;
	[tilespmem:$0x1E100] =	vst v63  }
0x1c5: {  	s29 =	simm.s32 $0xA900  }
0x1c6: {  	[tilespmem:s29], [sflag:$0x3] =	stream.indirect_vreg.gather [hbm4b:s5+s3], $0x80, v4, vm0, $0xb8;
	[tilespmem:$0x1E100] =	vst v63  }
0x1c7: {  	s13 =	simm.s32 $0xB100;
	v3 =	vperm.xlane v3, v2  }
0x1c8: {  	[tilespmem:s13], [sflag:$0x3] =	stream.indirect_vreg.gather [hbm4b:s6+s3], $0x80, v4, vm0, $0xb8;
	[tilespmem:$0x1E100] =	vst v63  }
0x1c9: {  	s14 =	simm.s32 $0xB900;
	v3 =	vadd.s32 v1, v3  }
0x1ca: {  	[tilespmem:s14], [sflag:$0x3] =	stream.indirect_vreg.gather [hbm4b:s7+s3], $0x80, v4, vm0, $0xb8;
	[tilespmem:$0x1E100] =	vst v63  }
0x1cb: {  	s15 =	simm.s32 $0xC100  }
0x1cc: {  	[tilespmem:s15], [sflag:$0x3] =	stream.indirect_vreg.gather [hbm4b:s8+s3], $0x80, v4, vm0, $0xb8;
	[tilespmem:$0x1E100] =	vst v63  }
0x1cd: {  	s29 =	simm.s32 $0xC900  }
0x1ce: {  	[tilespmem:s29], [sflag:$0x3] =	stream.indirect_vreg.gather [hbm4b:s2+s3], $0x80, v3, vm0, $0xb8;
	[tilespmem:$0x1E100] =	vst v63  }
0x1cf: {  	s13 =	simm.s32 $0xD100  }
0x1d0: {  	[tilespmem:s13], [sflag:$0x3] =	stream.indirect_vreg.gather [hbm4b:s5+s3], $0x80, v3, vm0, $0xb8;
	[tilespmem:$0x1E100] =	vst v63  }
0x1d1: {  	s14 =	simm.s32 $0xD900  }
0x1d2: {  	[tilespmem:s14], [sflag:$0x3] =	stream.indirect_vreg.gather [hbm4b:s6+s3], $0x80, v3, vm0, $0xb8;
	[tilespmem:$0x1E100] =	vst v63  }
0x1d3: {  	s15 =	simm.s32 $0xE100  }
0x1d4: {  	[tilespmem:s15], [sflag:$0x3] =	stream.indirect_vreg.gather [hbm4b:s7+s3], $0x80, v3, vm0, $0xb8;
	[tilespmem:$0x1E100] =	vst v63  }
0x1d5: {  	s29 =	simm.s32 $0xE900  }
0x1d6: {  	[tilespmem:s29], [sflag:$0x3] =	stream.indirect_vreg.gather [hbm4b:s8+s3], $0x80, v3, vm0, $0xb8;
	[tilespmem:$0x1E100] =	vst v63  }
0x1d7: {  	v3 =	vld [tilespmem:$0xF0];
	_ =	sdelay $0x4  }
0x1d8: {  	v63 =	vshrl.u32 v3, $0x3  }
0x1d9: {  	v4 =	vmul.u32 $0x50, v63  }
0x1da: {  	v3 =	vand.u32 $0x7, v3  }
0x1db: {  	v3 =	vor.u32 v3, v4  }
0x1dc: {  	v4 =	vperm.xlane v3, v0;
	_ =	sdelay $0x1  }
0x1dd: {  	v4 =	vadd.s32 v1, v4;
	_ =	sdelay $0x3  }
0x1de: {  	s13 =	simm.s32 $0xF100  }
0x1df: {  	[tilespmem:s13], [sflag:$0x3] =	stream.indirect_vreg.gather [hbm4b:s2+s3], $0x80, v4, vm0, $0xb8;
	[tilespmem:$0x1E100] =	vst v63  }
0x1e0: {  	s14 =	simm.s32 $0xF900  }
0x1e1: {  	[tilespmem:s14], [sflag:$0x3] =	stream.indirect_vreg.gather [hbm4b:s5+s3], $0x80, v4, vm0, $0xb8;
	[tilespmem:$0x1E100] =	vst v63  }
0x1e2: {  	s15 =	simm.s32 $0x10100;
	v3 =	vperm.xlane v3, v2  }
0x1e3: {  	[tilespmem:s15], [sflag:$0x3] =	stream.indirect_vreg.gather [hbm4b:s6+s3], $0x80, v4, vm0, $0xb8;
	[tilespmem:$0x1E100] =	vst v63  }
0x1e4: {  	s29 =	simm.s32 $0x10900;
	v3 =	vadd.s32 v1, v3  }
0x1e5: {  	[tilespmem:s29], [sflag:$0x3] =	stream.indirect_vreg.gather [hbm4b:s7+s3], $0x80, v4, vm0, $0xb8;
	[tilespmem:$0x1E100] =	vst v63  }
0x1e6: {  	s13 =	simm.s32 $0x11100  }
0x1e7: {  	[tilespmem:s13], [sflag:$0x3] =	stream.indirect_vreg.gather [hbm4b:s8+s3], $0x80, v4, vm0, $0xb8;
	[tilespmem:$0x1E100] =	vst v63  }
0x1e8: {  	s14 =	simm.s32 $0x11900  }
0x1e9: {  	[tilespmem:s14], [sflag:$0x3] =	stream.indirect_vreg.gather [hbm4b:s2+s3], $0x80, v3, vm0, $0xb8;
	[tilespmem:$0x1E100] =	vst v63  }
0x1ea: {  	s15 =	simm.s32 $0x12100  }
0x1eb: {  	[tilespmem:s15], [sflag:$0x3] =	stream.indirect_vreg.gather [hbm4b:s5+s3], $0x80, v3, vm0, $0xb8;
	[tilespmem:$0x1E100] =	vst v63  }
0x1ec: {  	s29 =	simm.s32 $0x12900  }
0x1ed: {  	[tilespmem:s29], [sflag:$0x3] =	stream.indirect_vreg.gather [hbm4b:s6+s3], $0x80, v3, vm0, $0xb8;
	[tilespmem:$0x1E100] =	vst v63  }
0x1ee: {  	s13 =	simm.s32 $0x13100  }
0x1ef: {  	[tilespmem:s13], [sflag:$0x3] =	stream.indirect_vreg.gather [hbm4b:s7+s3], $0x80, v3, vm0, $0xb8;
	[tilespmem:$0x1E100] =	vst v63  }
0x1f0: {  	s14 =	simm.s32 $0x13900  }
0x1f1: {  	[tilespmem:s14], [sflag:$0x3] =	stream.indirect_vreg.gather [hbm4b:s8+s3], $0x80, v3, vm0, $0xb8;
	[tilespmem:$0x1E100] =	vst v63  }
0x1f2: {  	_ =	swait.ge [sflag:s16], $0xA000  }
0x1f3: {  	[sflag:s16] =	ssyncset.done $0x0  }
0x1f4: {  	s15 =	rddreg [dreg:$0xa];
	[sflag:s16] =	ssyncadd.s32 $0xFFFF6000  }
0x1f5: {  	[hbm4b:s15+s3] =	stream.linear.scatter [tilespmem:s1], [sflag:$0x5], $0xA000, $0x38;
	[tilespmem:$0x1E100] =	vst v63  }
0x1f6: {  	_ =	swait.ge [sflag:s31], $0xA000  }
0x1f7: {  	[sflag:s31] =	ssyncset.done $0x0  }
0x1f8: {  	s29 =	rddreg [dreg:$0xb];
	[sflag:s31] =	ssyncadd.s32 $0xFFFF6000  }
0x1f9: {  	[hbm4b:s29+s3] =	stream.linear.scatter [tilespmem:s4], [sflag:$0x6], $0xA000, $0x38;
	[tilespmem:$0x1E100] =	vst v63  }
0x1fa: {  	_ =	swait.ge [sflag:s12], $0xA000  }
0x1fb: {  	[sflag:s12] =	ssyncset.done $0x0  }
0x1fc: {  	[sflag:s12] =	ssyncadd.s32 $0xFFFF6000  }
0x1fd: {  	p0 =	sne.s32 s9, $0x1;
	_ =	swait.ge [sflag:s0], $0xA000  }
.Ltmp0:
0x1fe: {  	[sflag:s0] =	ssyncset.done $0x0;
	(pc) =	sbr.rel @p0 .LBB2_1-.Ltmp0, $4  }
0x1ff: {  	[sflag:s0] =	ssyncadd.s32 $0xFFFF6000  }
0x200: {  	_ =	swait.ge [sflag:s10], $0xA000  }
0x201: {  	[sflag:s10] =	ssyncset.done $0x0  }
0x202: {  	s9 =	sadd.s32 $0xFFFFFFFF, s9;
	[sflag:s10] =	ssyncadd.s32 $0xFFFF6000  }
0x203: {  	_ =	sfence.sel $0x180000  }
0x204: {  	[bflag:$0x0] =	sbarrier.arrive $0xFFFF  }
0x205: {  	_ =	strace $0x90000047  }
0x206: {  	s0 =	stileid.u32;
	[bflag:$0x2] =	sbarrier.arrive $0xFFFF  }
0x207: {  	p0 =	sne.s32 s0, $0x0;
	s0 =	rddreg [dreg:$0x3]  }
0x208: {  	s0 =	sadd.s32 @!p0 $0x100000, s0  }
0x209: {  	[sflag:s0] =	ssyncadd.tile.s32 @!p0 $0x1;
	_ =	shalt  }
.Lfunc_end2:
_tile_overlayer_lowered:
.L_overlay_start_2:
0x20a: {  	(tag) =	ssettag $0x2  }
0x20b: {  	s0 =	rddreg [dreg:$0x0];
	s2 =	stileid.u32  }
0x20c: {  	s1 =	rddreg [dreg:$0x1];
	p0 =	sne.s32 s2, $0x0  }
0x20d: {  	s3 =	rddreg [dreg:$0x2];
	[bflag:$0x3] =	sbarrier.arrive $0xFFFF;
	s2 =	simm.s32 @!p0 $0x1C08  }
0x20e: {  	[timem:s3], [sflag:s2] =	dma.local @!p0 [hbm:s0], s1  }
0x20f: {  	s0 =	simm.s32 @!p0 $0x8  }
0x210: {  	_ =	swait.ge @!p0 [sflag:s0], s1  }
0x211: {  	s1 =	ssub.s32 @!p0 $0x0, s1;
	[sflag:s0] =	ssyncset.done @!p0 $0x0  }
0x212: {  	[sflag:s0] =	ssyncadd.s32 @!p0 s1  }
0x213: {  	[bflag:$0x3] =	sbarrier.arrive $0xFFFF  }
0x214: {  	_ =	shalt  }

</sc_bundles>
